<compile_context>
chip_gen: v7x
topology: tpu7x:2x2x1
jax: 0.10.2.dev20260603
libtpu: 0.0.44.dev20260713+nightly
codegen_flags: <defaults>
</compile_context>

<pallas_src>
import functools

import jax
import jax.numpy as jnp
from jax import lax
from jax.experimental import pallas as pl
from jax.experimental.pallas import tpu as pltpu
from jax.experimental.pallas import tpu_sc as plsc

_PIECE = 16384
_NB = 5
_LOOK = 3
_CB = 16384


class _Ring:

    def __init__(self, buf, sins, souts, src_slice, dst_slice, n):
        self.buf, self.sins, self.souts = buf, sins, souts
        self.src, self.dst, self.n = src_slice, dst_slice, n
        self.gh = [None] * _NB
        self.sh = [None] * _NB

    def _gather(self, k):
        b = k % _NB
        if self.sh[b] is not None:
            self.sh[b].wait()
            self.sh[b] = None
        self.gh[b] = pltpu.async_copy(
            self.src(k), self.buf.at[pl.ds(b * _PIECE, _PIECE)], self.sins[b]
        )

    def prime(self):
        for k in range(min(_LOOK, self.n)):
            self._gather(k)

    def step(self, k):
        b = k % _NB
        self.gh[b].wait()
        self.sh[b] = pltpu.async_copy(
            self.buf.at[pl.ds(b * _PIECE, _PIECE)], self.dst(k), self.souts[b]
        )
        if k + _LOOK < self.n:
            self._gather(k + _LOOK)

    def drain(self):
        for b in range(_NB):
            if self.sh[b] is not None:
                self.sh[b].wait()


def _sc_permute_indices(values, W, C):
    info = plsc.get_sparse_core_info()
    nc, ns = info.num_cores, info.num_subcores
    nw = nc * ns
    per_w = (W * W) // nw
    npieces = C // _PIECE
    n = per_w * npieces

    mesh = plsc.VectorSubcoreMesh(core_axis_name="c", subcore_axis_name="s")

    @functools.partial(
        pl.kernel,
        mesh=mesh,
        out_type=jax.ShapeDtypeStruct((W, W * C), jnp.int32),
        scratch_types=[pltpu.VMEM((_NB * _PIECE,), jnp.int32)]
        + [pltpu.SemaphoreType.DMA] * (2 * _NB),
    )
    def k(vals_hbm, out_hbm, vbuf, *sems):
        sin, sout = sems[:_NB], sems[_NB:]
        wid = lax.axis_index("s") * nc + lax.axis_index("c")
        coords = []
        for t in range(per_w):
            p = wid * per_w + t
            coords.append((p // W, p % W))

        def src(k_):
            s, w = coords[k_ // npieces]
            return vals_hbm.at[s, w, pl.ds((k_ % npieces) * _PIECE, _PIECE)]

        def dst(k_):
            s, w = coords[k_ // npieces]
            return out_hbm.at[w, pl.ds(s * C + (k_ % npieces) * _PIECE, _PIECE)]

        ring = _Ring(vbuf, sin, sout, src, dst, n)
        ring.prime()
        for kk in range(n):
            ring.step(kk)
        ring.drain()

    return k(values)


def _tc_weights_and_constants(weights, W, C, N):
    ncol = 2
    cb = C // ncol
    nsteps = W * ncol
    lcb = N // nsteps
    ocb = ((N + nsteps) // nsteps + 127) // 128 * 128

    def body(w_ref, out_w_ref, len_ref, off_ref):
        i = pl.program_id(0)
        j = pl.program_id(1)
        p = i * ncol + j
        out_w_ref[...] = w_ref[0]
        len_ref[...] = jnp.ones((W, lcb), jnp.int32)
        off_ref[...] = p * ocb + lax.broadcasted_iota(jnp.int32, (W, ocb), 1)

    return pl.pallas_call(
        body,
        grid=(W, ncol),
        in_specs=[pl.BlockSpec((1, W, cb), lambda i, j: (i, 0, j))],
        out_specs=[
            pl.BlockSpec((W, cb), lambda i, j: (0, i * ncol + j)),
            pl.BlockSpec((W, lcb), lambda i, j: (0, i * ncol + j)),
            pl.BlockSpec((W, ocb), lambda i, j: (0, i * ncol + j)),
        ],
        out_shape=[
            jax.ShapeDtypeStruct((W, W * C), jnp.float32),
            jax.ShapeDtypeStruct((W, N), jnp.int32),
            jax.ShapeDtypeStruct((W, N + 1), jnp.int32),
        ],
    )(weights)


def kernel(values, weights):
    W, _, C = values.shape
    N = W * C
    out_weights, kjt_lengths, kjt_offsets = _tc_weights_and_constants(
        weights, W, C, N
    )
    out_indices = _sc_permute_indices(values, W, C)
    return out_indices, out_weights, kjt_lengths, kjt_offsets

# --- scband reference (transcript-rebuilt; emitter-appended) ---
"""Pipeline reference for scband-unified-all-to-all-49701361549787 (READ-ONLY COPY).

The authoritative reference and input builder live on the scoring server;
editing this copy changes nothing except your own understanding.
"""

import jax, jax.numpy as jnp
import numpy as np

W = 8
C = 131072
VOCAB = 1000000

def setup_inputs(seed: int = 0) -> dict:
    key = jax.random.key(seed)
    k1, k2 = jax.random.split(key)
    # values[w_src, w_dst, c]: sparse ids held on worker w_src destined for worker w_dst.
    values = jax.random.randint(k1, (W, W, C), 0, VOCAB, dtype=jnp.int32)
    # per-id float weights that travel with the KJT (KJT supports weighted features)
    weights = jax.random.normal(k2, (W, W, C), dtype=jnp.float32)
    return {"values": values, "weights": weights}

def reference(values, weights):
    # Simulates UnifiedAllToAll on a single device with W workers and equal
    # split sizes. Stage 1 (lengths all-to-all) is trivial here since all
    # splits equal C. Stage 2 (indices all-to-all) is a segment permutation:
    # worker w's output is the concatenation over all source workers of the
    # chunk they addressed to w -> a transpose over the first two axes.
    w = values.shape[0]
    out_indices = jnp.swapaxes(values, 0, 1).reshape(w, -1)
    out_weights = jnp.swapaxes(weights, 0, 1).reshape(w, -1)
    n = out_indices.shape[1]
    # _wait_impl builds the output KJT with unit lengths and arange offsets
    kjt_lengths = jnp.ones((w, n), dtype=values.dtype)
    kjt_offsets = jnp.broadcast_to(jnp.arange(n + 1, dtype=values.dtype), (w, n + 1))
    return out_indices, out_weights, kjt_lengths, kjt_offsets

if __name__ == "__main__":
    import jax
    _d = setup_inputs()
    print(jax.jit(kernel)(*tuple(_d.values())))

</pallas_src>

<mosaic_0001>
#map = affine_map<(d0, d1) -> (0, 0, 0)>
#map1 = affine_map<(d0, d1) -> (0, 0)>
module attributes {stable_mosaic.version = 14 : i64} {
  func.func @k(%arg0: i32, %arg1: i32, %arg2: memref<8x8x131072xi32, #tpu.memory_space<hbm>>, %arg3: memref<8x1048576xi32, #tpu.memory_space<hbm>>, %arg4: memref<81920xi32, #tpu.memory_space<vmem>>, %arg5: memref<!tpu.dma_semaphore, #tpu.memory_space<semaphore_mem>>, %arg6: memref<!tpu.dma_semaphore, #tpu.memory_space<semaphore_mem>>, %arg7: memref<!tpu.dma_semaphore, #tpu.memory_space<semaphore_mem>>, %arg8: memref<!tpu.dma_semaphore, #tpu.memory_space<semaphore_mem>>, %arg9: memref<!tpu.dma_semaphore, #tpu.memory_space<semaphore_mem>>, %arg10: memref<!tpu.dma_semaphore, #tpu.memory_space<semaphore_mem>>, %arg11: memref<!tpu.dma_semaphore, #tpu.memory_space<semaphore_mem>>, %arg12: memref<!tpu.dma_semaphore, #tpu.memory_space<semaphore_mem>>, %arg13: memref<!tpu.dma_semaphore, #tpu.memory_space<semaphore_mem>>, %arg14: memref<!tpu.dma_semaphore, #tpu.memory_space<semaphore_mem>>) attributes {dimension_semantics = [#tpu.dimension_semantics<core_parallel>, #tpu.dimension_semantics<subcore_parallel>], iteration_bounds = array<i64: 2, 16>, scalar_prefetch = 0 : i64, scratch_operands = 11 : i64, tpu.core_type = #tpu.core_type<sc_vector_subcore>, window_params = [{transform_indices = #map}, {transform_indices = #map1}]} {
    %mul3A = arith.constant 2 : i32
    %mul3A_0 = arith.muli %arg1, %mul3A : i32
    %add3A = arith.addi %mul3A_0, %arg0 : i32
    %mul3A_1 = arith.constant 2 : i32
    %mul3A_2 = arith.muli %add3A, %mul3A_1 : i32
    %add3A_3 = arith.constant 0 : i32
    %add3A_4 = arith.addi %mul3A_2, %add3A_3 : i32
    %jit3A = arith.constant 8 : i32
    %div3A = arith.divsi %add3A_4, %jit3A : i32
    %sign3A = arith.constant 0 : i32
    %sign3A_5 = arith.cmpi sgt, %add3A_4, %sign3A : i32
    %sign3A_6 = arith.extui %sign3A_5 : i1 to i32
    %sign3A_7 = arith.constant 0 : i32
    %sign3A_8 = arith.cmpi slt, %add3A_4, %sign3A_7 : i32
    %sign3A_9 = arith.extui %sign3A_8 : i1 to i32
    %sign3A_10 = arith.subi %sign3A_6, %sign3A_9 : i32
    %sign3A_11 = arith.constant 0 : i32
    %sign3A_12 = arith.cmpi sgt, %jit3A, %sign3A_11 : i32
    %sign3A_13 = arith.extui %sign3A_12 : i1 to i32
    %sign3A_14 = arith.constant 0 : i32
    %sign3A_15 = arith.cmpi slt, %jit3A, %sign3A_14 : i32
    %sign3A_16 = arith.extui %sign3A_15 : i1 to i32
    %sign3A_17 = arith.subi %sign3A_13, %sign3A_16 : i32
    %ne3A = arith.cmpi ne, %sign3A_10, %sign3A_17 : i32
    %rem3A = arith.remsi %add3A_4, %jit3A : i32
    %ne3A_18 = arith.constant 0 : i32
    %ne3A_19 = arith.cmpi ne, %rem3A, %ne3A_18 : i32
    %and3A = arith.andi %ne3A, %ne3A_19 : i1
    %sub3A = arith.constant 1 : i32
    %sub3A_20 = arith.subi %div3A, %sub3A : i32
    %select_n3A = arith.select %and3A, %sub3A_20, %div3A : i32
    %jit3A_21 = arith.constant 8 : i32
    %eq3A = arith.constant 0 : i32
    %eq3A_22 = arith.cmpi eq, %jit3A_21, %eq3A : i32
    %jit3A_23 = arith.constant 1 : i32
    %select_n3A_24 = arith.select %eq3A_22, %jit3A_23, %jit3A_21 : i32
    %rem3A_25 = arith.remsi %add3A_4, %select_n3A_24 : i32
    %ne3A_26 = arith.constant 0 : i32
    %ne3A_27 = arith.cmpi ne, %rem3A_25, %ne3A_26 : i32
    %lt3A = arith.constant 0 : i32
    %lt3A_28 = arith.cmpi slt, %rem3A_25, %lt3A : i32
    %lt3A_29 = arith.constant 0 : i32
    %lt3A_30 = arith.cmpi slt, %select_n3A_24, %lt3A_29 : i32
    %ne3A_31 = arith.xori %lt3A_28, %lt3A_30 : i1
    %and3A_32 = arith.andi %ne3A_31, %ne3A_27 : i1
    %add3A_33 = arith.addi %rem3A_25, %select_n3A_24 : i32
    %select_n3A_34 = arith.select %and3A_32, %add3A_33, %rem3A_25 : i32
    %mul3A_35 = arith.constant 2 : i32
    %mul3A_36 = arith.muli %add3A, %mul3A_35 : i32
    %add3A_37 = arith.constant 1 : i32
    %add3A_38 = arith.addi %mul3A_36, %add3A_37 : i32
    %jit3A_39 = arith.constant 8 : i32
    %div3A_40 = arith.divsi %add3A_38, %jit3A_39 : i32
    %sign3A_41 = arith.constant 0 : i32
    %sign3A_42 = arith.cmpi sgt, %add3A_38, %sign3A_41 : i32
    %sign3A_43 = arith.extui %sign3A_42 : i1 to i32
    %sign3A_44 = arith.constant 0 : i32
    %sign3A_45 = arith.cmpi slt, %add3A_38, %sign3A_44 : i32
    %sign3A_46 = arith.extui %sign3A_45 : i1 to i32
    %sign3A_47 = arith.subi %sign3A_43, %sign3A_46 : i32
    %sign3A_48 = arith.constant 0 : i32
    %sign3A_49 = arith.cmpi sgt, %jit3A_39, %sign3A_48 : i32
    %sign3A_50 = arith.extui %sign3A_49 : i1 to i32
    %sign3A_51 = arith.constant 0 : i32
    %sign3A_52 = arith.cmpi slt, %jit3A_39, %sign3A_51 : i32
    %sign3A_53 = arith.extui %sign3A_52 : i1 to i32
    %sign3A_54 = arith.subi %sign3A_50, %sign3A_53 : i32
    %ne3A_55 = arith.cmpi ne, %sign3A_47, %sign3A_54 : i32
    %rem3A_56 = arith.remsi %add3A_38, %jit3A_39 : i32
    %ne3A_57 = arith.constant 0 : i32
    %ne3A_58 = arith.cmpi ne, %rem3A_56, %ne3A_57 : i32
    %and3A_59 = arith.andi %ne3A_55, %ne3A_58 : i1
    %sub3A_60 = arith.constant 1 : i32
    %sub3A_61 = arith.subi %div3A_40, %sub3A_60 : i32
    %select_n3A_62 = arith.select %and3A_59, %sub3A_61, %div3A_40 : i32
    %jit3A_63 = arith.constant 8 : i32
    %eq3A_64 = arith.constant 0 : i32
    %eq3A_65 = arith.cmpi eq, %jit3A_63, %eq3A_64 : i32
    %jit3A_66 = arith.constant 1 : i32
    %select_n3A_67 = arith.select %eq3A_65, %jit3A_66, %jit3A_63 : i32
    %rem3A_68 = arith.remsi %add3A_38, %select_n3A_67 : i32
    %ne3A_69 = arith.constant 0 : i32
    %ne3A_70 = arith.cmpi ne, %rem3A_68, %ne3A_69 : i32
    %lt3A_71 = arith.constant 0 : i32
    %lt3A_72 = arith.cmpi slt, %rem3A_68, %lt3A_71 : i32
    %lt3A_73 = arith.constant 0 : i32
    %lt3A_74 = arith.cmpi slt, %select_n3A_67, %lt3A_73 : i32
    %ne3A_75 = arith.xori %lt3A_72, %lt3A_74 : i1
    %and3A_76 = arith.andi %ne3A_75, %ne3A_70 : i1
    %add3A_77 = arith.addi %rem3A_68, %select_n3A_67 : i32
    %select_n3A_78 = arith.select %and3A_76, %add3A_77, %rem3A_68 : i32
    %dma_start3A = arith.constant 0 : i32
    %dma_start3A_79 = tpu.memref_slice %arg4[%dma_start3A] : memref<81920xi32, #tpu.memory_space<vmem>> -> memref<16384xi32, #tpu.memory_space<vmem>>
    %dma_start3A_80 = arith.constant 0 : i32
    %dma_start3A_81 = tpu.memref_slice %arg2[%select_n3A, %select_n3A_34, %dma_start3A_80] : memref<8x8x131072xi32, #tpu.memory_space<hbm>> -> memref<1x1x16384xi32, #tpu.memory_space<hbm>>
    %dma_start3A_82 = tpu.memref_squeeze %dma_start3A_81 : memref<1x1x16384xi32, #tpu.memory_space<hbm>> -> memref<16384xi32, #tpu.memory_space<hbm>>
    %dma_start3A_83 = arith.constant 0 : i32
    %dma_start3A_84 = tpu.memref_slice %arg4[%dma_start3A_83] : memref<81920xi32, #tpu.memory_space<vmem>> -> memref<16384xi32, #tpu.memory_space<vmem>>
    %dma_start3A_85 = arith.constant 0 : i32
    %dma_start3A_86 = tpu.memref_slice %arg2[%select_n3A, %select_n3A_34, %dma_start3A_85] : memref<8x8x131072xi32, #tpu.memory_space<hbm>> -> memref<1x1x16384xi32, #tpu.memory_space<hbm>>
    %dma_start3A_87 = tpu.memref_squeeze %dma_start3A_86 : memref<1x1x16384xi32, #tpu.memory_space<hbm>> -> memref<16384xi32, #tpu.memory_space<hbm>>
    tpu.enqueue_dma source(%dma_start3A_87 : memref<16384xi32, #tpu.memory_space<hbm>>) target(%dma_start3A_84 : memref<16384xi32, #tpu.memory_space<vmem>>) target_semaphore(%arg5 : memref<!tpu.dma_semaphore, #tpu.memory_space<semaphore_mem>>)
    %dma_start3A_88 = arith.constant 16384 : i32
    %dma_start3A_89 = tpu.memref_slice %arg4[%dma_start3A_88] : memref<81920xi32, #tpu.memory_space<vmem>> -> memref<16384xi32, #tpu.memory_space<vmem>>
    %dma_start3A_90 = arith.constant 16384 : i32
    %dma_start3A_91 = tpu.memref_slice %arg2[%select_n3A, %select_n3A_34, %dma_start3A_90] : memref<8x8x131072xi32, #tpu.memory_space<hbm>> -> memref<1x1x16384xi32, #tpu.memory_space<hbm>>
    %dma_start3A_92 = tpu.memref_squeeze %dma_start3A_91 : memref<1x1x16384xi32, #tpu.memory_space<hbm>> -> memref<16384xi32, #tpu.memory_space<hbm>>
    %dma_start3A_93 = arith.constant 16384 : i32
    %dma_start3A_94 = tpu.memref_slice %arg4[%dma_start3A_93] : memref<81920xi32, #tpu.memory_space<vmem>> -> memref<16384xi32, #tpu.memory_space<vmem>>
    %dma_start3A_95 = arith.constant 16384 : i32
    %dma_start3A_96 = tpu.memref_slice %arg2[%select_n3A, %select_n3A_34, %dma_start3A_95] : memref<8x8x131072xi32, #tpu.memory_space<hbm>> -> memref<1x1x16384xi32, #tpu.memory_space<hbm>>
    %dma_start3A_97 = tpu.memref_squeeze %dma_start3A_96 : memref<1x1x16384xi32, #tpu.memory_space<hbm>> -> memref<16384xi32, #tpu.memory_space<hbm>>
    tpu.enqueue_dma source(%dma_start3A_97 : memref<16384xi32, #tpu.memory_space<hbm>>) target(%dma_start3A_94 : memref<16384xi32, #tpu.memory_space<vmem>>) target_semaphore(%arg6 : memref<!tpu.dma_semaphore, #tpu.memory_space<semaphore_mem>>)
    %dma_start3A_98 = arith.constant 32768 : i32
    %dma_start3A_99 = tpu.memref_slice %arg4[%dma_start3A_98] : memref<81920xi32, #tpu.memory_space<vmem>> -> memref<16384xi32, #tpu.memory_space<vmem>>
    %dma_start3A_100 = arith.constant 32768 : i32
    %dma_start3A_101 = tpu.memref_slice %arg2[%select_n3A, %select_n3A_34, %dma_start3A_100] : memref<8x8x131072xi32, #tpu.memory_space<hbm>> -> memref<1x1x16384xi32, #tpu.memory_space<hbm>>
    %dma_start3A_102 = tpu.memref_squeeze %dma_start3A_101 : memref<1x1x16384xi32, #tpu.memory_space<hbm>> -> memref<16384xi32, #tpu.memory_space<hbm>>
    %dma_start3A_103 = arith.constant 32768 : i32
    %dma_start3A_104 = tpu.memref_slice %arg4[%dma_start3A_103] : memref<81920xi32, #tpu.memory_space<vmem>> -> memref<16384xi32, #tpu.memory_space<vmem>>
    %dma_start3A_105 = arith.constant 32768 : i32
    %dma_start3A_106 = tpu.memref_slice %arg2[%select_n3A, %select_n3A_34, %dma_start3A_105] : memref<8x8x131072xi32, #tpu.memory_space<hbm>> -> memref<1x1x16384xi32, #tpu.memory_space<hbm>>
    %dma_start3A_107 = tpu.memref_squeeze %dma_start3A_106 : memref<1x1x16384xi32, #tpu.memory_space<hbm>> -> memref<16384xi32, #tpu.memory_space<hbm>>
    tpu.enqueue_dma source(%dma_start3A_107 : memref<16384xi32, #tpu.memory_space<hbm>>) target(%dma_start3A_104 : memref<16384xi32, #tpu.memory_space<vmem>>) target_semaphore(%arg7 : memref<!tpu.dma_semaphore, #tpu.memory_space<semaphore_mem>>)
    %dma_wait3A = arith.constant 0 : i32
    %dma_wait3A_108 = tpu.memref_slice %arg4[%dma_wait3A] : memref<81920xi32, #tpu.memory_space<vmem>> -> memref<16384xi32, #tpu.memory_space<vmem>>
    %dma_wait3A_109 = arith.constant 0 : i32
    %dma_wait3A_110 = tpu.memref_slice %arg2[%select_n3A, %select_n3A_34, %dma_wait3A_109] : memref<8x8x131072xi32, #tpu.memory_space<hbm>> -> memref<1x1x16384xi32, #tpu.memory_space<hbm>>
    %dma_wait3A_111 = tpu.memref_squeeze %dma_wait3A_110 : memref<1x1x16384xi32, #tpu.memory_space<hbm>> -> memref<16384xi32, #tpu.memory_space<hbm>>
    %dma_wait3A_112 = arith.constant 0 : i32
    %dma_wait3A_113 = tpu.memref_slice %arg4[%dma_wait3A_112] : memref<81920xi32, #tpu.memory_space<vmem>> -> memref<16384xi32, #tpu.memory_space<vmem>>
    %dma_wait3A_114 = arith.constant 0 : i32
    %dma_wait3A_115 = tpu.memref_slice %arg2[%select_n3A, %select_n3A_34, %dma_wait3A_114] : memref<8x8x131072xi32, #tpu.memory_space<hbm>> -> memref<1x1x16384xi32, #tpu.memory_space<hbm>>
    %dma_wait3A_116 = tpu.memref_squeeze %dma_wait3A_115 : memref<1x1x16384xi32, #tpu.memory_space<hbm>> -> memref<16384xi32, #tpu.memory_space<hbm>>
    tpu.wait_dma2 semaphore(%arg5 : memref<!tpu.dma_semaphore, #tpu.memory_space<semaphore_mem>>) src(%dma_wait3A_116 : memref<16384xi32, #tpu.memory_space<hbm>>) dst(%dma_wait3A_113 : memref<16384xi32, #tpu.memory_space<vmem>>)
    %mul3A_117 = arith.constant 131072 : i32
    %mul3A_118 = arith.muli %select_n3A, %mul3A_117 : i32
    %add3A_119 = arith.constant 0 : i32
    %add3A_120 = arith.addi %mul3A_118, %add3A_119 : i32
    %dma_start3A_121 = arith.constant 0 : i32
    %dma_start3A_122 = tpu.memref_slice %arg4[%dma_start3A_121] : memref<81920xi32, #tpu.memory_space<vmem>> -> memref<16384xi32, #tpu.memory_space<vmem>>
    %dma_start3A_123 = tpu.memref_slice %arg3[%select_n3A_34, %add3A_120] : memref<8x1048576xi32, #tpu.memory_space<hbm>> -> memref<1x16384xi32, #tpu.memory_space<hbm>>
    %dma_start3A_124 = tpu.memref_squeeze %dma_start3A_123 : memref<1x16384xi32, #tpu.memory_space<hbm>> -> memref<16384xi32, #tpu.memory_space<hbm>>
    %dma_start3A_125 = tpu.memref_slice %arg3[%select_n3A_34, %add3A_120] : memref<8x1048576xi32, #tpu.memory_space<hbm>> -> memref<1x16384xi32, #tpu.memory_space<hbm>>
    %dma_start3A_126 = tpu.memref_squeeze %dma_start3A_125 : memref<1x16384xi32, #tpu.memory_space<hbm>> -> memref<16384xi32, #tpu.memory_space<hbm>>
    %dma_start3A_127 = arith.constant 0 : i32
    %dma_start3A_128 = tpu.memref_slice %arg4[%dma_start3A_127] : memref<81920xi32, #tpu.memory_space<vmem>> -> memref<16384xi32, #tpu.memory_space<vmem>>
    tpu.enqueue_dma source(%dma_start3A_128 : memref<16384xi32, #tpu.memory_space<vmem>>) target(%dma_start3A_126 : memref<16384xi32, #tpu.memory_space<hbm>>) target_semaphore(%arg10 : memref<!tpu.dma_semaphore, #tpu.memory_space<semaphore_mem>>)
    %dma_start3A_129 = arith.constant 49152 : i32
    %dma_start3A_130 = tpu.memref_slice %arg4[%dma_start3A_129] : memref<81920xi32, #tpu.memory_space<vmem>> -> memref<16384xi32, #tpu.memory_space<vmem>>
    %dma_start3A_131 = arith.constant 49152 : i32
    %dma_start3A_132 = tpu.memref_slice %arg2[%select_n3A, %select_n3A_34, %dma_start3A_131] : memref<8x8x131072xi32, #tpu.memory_space<hbm>> -> memref<1x1x16384xi32, #tpu.memory_space<hbm>>
    %dma_start3A_133 = tpu.memref_squeeze %dma_start3A_132 : memref<1x1x16384xi32, #tpu.memory_space<hbm>> -> memref<16384xi32, #tpu.memory_space<hbm>>
    %dma_start3A_134 = arith.constant 49152 : i32
    %dma_start3A_135 = tpu.memref_slice %arg4[%dma_start3A_134] : memref<81920xi32, #tpu.memory_space<vmem>> -> memref<16384xi32, #tpu.memory_space<vmem>>
    %dma_start3A_136 = arith.constant 49152 : i32
    %dma_start3A_137 = tpu.memref_slice %arg2[%select_n3A, %select_n3A_34, %dma_start3A_136] : memref<8x8x131072xi32, #tpu.memory_space<hbm>> -> memref<1x1x16384xi32, #tpu.memory_space<hbm>>
    %dma_start3A_138 = tpu.memref_squeeze %dma_start3A_137 : memref<1x1x16384xi32, #tpu.memory_space<hbm>> -> memref<16384xi32, #tpu.memory_space<hbm>>
    tpu.enqueue_dma source(%dma_start3A_138 : memref<16384xi32, #tpu.memory_space<hbm>>) target(%dma_start3A_135 : memref<16384xi32, #tpu.memory_space<vmem>>) target_semaphore(%arg8 : memref<!tpu.dma_semaphore, #tpu.memory_space<semaphore_mem>>)
    %dma_wait3A_139 = arith.constant 16384 : i32
    %dma_wait3A_140 = tpu.memref_slice %arg4[%dma_wait3A_139] : memref<81920xi32, #tpu.memory_space<vmem>> -> memref<16384xi32, #tpu.memory_space<vmem>>
    %dma_wait3A_141 = arith.constant 16384 : i32
    %dma_wait3A_142 = tpu.memref_slice %arg2[%select_n3A, %select_n3A_34, %dma_wait3A_141] : memref<8x8x131072xi32, #tpu.memory_space<hbm>> -> memref<1x1x16384xi32, #tpu.memory_space<hbm>>
    %dma_wait3A_143 = tpu.memref_squeeze %dma_wait3A_142 : memref<1x1x16384xi32, #tpu.memory_space<hbm>> -> memref<16384xi32, #tpu.memory_space<hbm>>
    %dma_wait3A_144 = arith.constant 16384 : i32
    %dma_wait3A_145 = tpu.memref_slice %arg4[%dma_wait3A_144] : memref<81920xi32, #tpu.memory_space<vmem>> -> memref<16384xi32, #tpu.memory_space<vmem>>
    %dma_wait3A_146 = arith.constant 16384 : i32
    %dma_wait3A_147 = tpu.memref_slice %arg2[%select_n3A, %select_n3A_34, %dma_wait3A_146] : memref<8x8x131072xi32, #tpu.memory_space<hbm>> -> memref<1x1x16384xi32, #tpu.memory_space<hbm>>
    %dma_wait3A_148 = tpu.memref_squeeze %dma_wait3A_147 : memref<1x1x16384xi32, #tpu.memory_space<hbm>> -> memref<16384xi32, #tpu.memory_space<hbm>>
    tpu.wait_dma2 semaphore(%arg6 : memref<!tpu.dma_semaphore, #tpu.memory_space<semaphore_mem>>) src(%dma_wait3A_148 : memref<16384xi32, #tpu.memory_space<hbm>>) dst(%dma_wait3A_145 : memref<16384xi32, #tpu.memory_space<vmem>>)
    %mul3A_149 = arith.constant 131072 : i32
    %mul3A_150 = arith.muli %select_n3A, %mul3A_149 : i32
    %add3A_151 = arith.constant 16384 : i32
    %add3A_152 = arith.addi %mul3A_150, %add3A_151 : i32
    %dma_start3A_153 = arith.constant 16384 : i32
    %dma_start3A_154 = tpu.memref_slice %arg4[%dma_start3A_153] : memref<81920xi32, #tpu.memory_space<vmem>> -> memref<16384xi32, #tpu.memory_space<vmem>>
    %dma_start3A_155 = tpu.memref_slice %arg3[%select_n3A_34, %add3A_152] : memref<8x1048576xi32, #tpu.memory_space<hbm>> -> memref<1x16384xi32, #tpu.memory_space<hbm>>
    %dma_start3A_156 = tpu.memref_squeeze %dma_start3A_155 : memref<1x16384xi32, #tpu.memory_space<hbm>> -> memref<16384xi32, #tpu.memory_space<hbm>>
    %dma_start3A_157 = tpu.memref_slice %arg3[%select_n3A_34, %add3A_152] : memref<8x1048576xi32, #tpu.memory_space<hbm>> -> memref<1x16384xi32, #tpu.memory_space<hbm>>
    %dma_start3A_158 = tpu.memref_squeeze %dma_start3A_157 : memref<1x16384xi32, #tpu.memory_space<hbm>> -> memref<16384xi32, #tpu.memory_space<hbm>>
    %dma_start3A_159 = arith.constant 16384 : i32
    %dma_start3A_160 = tpu.memref_slice %arg4[%dma_start3A_159] : memref<81920xi32, #tpu.memory_space<vmem>> -> memref<16384xi32, #tpu.memory_space<vmem>>
    tpu.enqueue_dma source(%dma_start3A_160 : memref<16384xi32, #tpu.memory_space<vmem>>) target(%dma_start3A_158 : memref<16384xi32, #tpu.memory_space<hbm>>) target_semaphore(%arg11 : memref<!tpu.dma_semaphore, #tpu.memory_space<semaphore_mem>>)
    %dma_start3A_161 = arith.constant 65536 : i32
    %dma_start3A_162 = tpu.memref_slice %arg4[%dma_start3A_161] : memref<81920xi32, #tpu.memory_space<vmem>> -> memref<16384xi32, #tpu.memory_space<vmem>>
    %dma_start3A_163 = arith.constant 65536 : i32
    %dma_start3A_164 = tpu.memref_slice %arg2[%select_n3A, %select_n3A_34, %dma_start3A_163] : memref<8x8x131072xi32, #tpu.memory_space<hbm>> -> memref<1x1x16384xi32, #tpu.memory_space<hbm>>
    %dma_start3A_165 = tpu.memref_squeeze %dma_start3A_164 : memref<1x1x16384xi32, #tpu.memory_space<hbm>> -> memref<16384xi32, #tpu.memory_space<hbm>>
    %dma_start3A_166 = arith.constant 65536 : i32
    %dma_start3A_167 = tpu.memref_slice %arg4[%dma_start3A_166] : memref<81920xi32, #tpu.memory_space<vmem>> -> memref<16384xi32, #tpu.memory_space<vmem>>
    %dma_start3A_168 = arith.constant 65536 : i32
    %dma_start3A_169 = tpu.memref_slice %arg2[%select_n3A, %select_n3A_34, %dma_start3A_168] : memref<8x8x131072xi32, #tpu.memory_space<hbm>> -> memref<1x1x16384xi32, #tpu.memory_space<hbm>>
    %dma_start3A_170 = tpu.memref_squeeze %dma_start3A_169 : memref<1x1x16384xi32, #tpu.memory_space<hbm>> -> memref<16384xi32, #tpu.memory_space<hbm>>
    tpu.enqueue_dma source(%dma_start3A_170 : memref<16384xi32, #tpu.memory_space<hbm>>) target(%dma_start3A_167 : memref<16384xi32, #tpu.memory_space<vmem>>) target_semaphore(%arg9 : memref<!tpu.dma_semaphore, #tpu.memory_space<semaphore_mem>>)
    %dma_wait3A_171 = arith.constant 32768 : i32
    %dma_wait3A_172 = tpu.memref_slice %arg4[%dma_wait3A_171] : memref<81920xi32, #tpu.memory_space<vmem>> -> memref<16384xi32, #tpu.memory_space<vmem>>
    %dma_wait3A_173 = arith.constant 32768 : i32
    %dma_wait3A_174 = tpu.memref_slice %arg2[%select_n3A, %select_n3A_34, %dma_wait3A_173] : memref<8x8x131072xi32, #tpu.memory_space<hbm>> -> memref<1x1x16384xi32, #tpu.memory_space<hbm>>
    %dma_wait3A_175 = tpu.memref_squeeze %dma_wait3A_174 : memref<1x1x16384xi32, #tpu.memory_space<hbm>> -> memref<16384xi32, #tpu.memory_space<hbm>>
    %dma_wait3A_176 = arith.constant 32768 : i32
    %dma_wait3A_177 = tpu.memref_slice %arg4[%dma_wait3A_176] : memref<81920xi32, #tpu.memory_space<vmem>> -> memref<16384xi32, #tpu.memory_space<vmem>>
    %dma_wait3A_178 = arith.constant 32768 : i32
    %dma_wait3A_179 = tpu.memref_slice %arg2[%select_n3A, %select_n3A_34, %dma_wait3A_178] : memref<8x8x131072xi32, #tpu.memory_space<hbm>> -> memref<1x1x16384xi32, #tpu.memory_space<hbm>>
    %dma_wait3A_180 = tpu.memref_squeeze %dma_wait3A_179 : memref<1x1x16384xi32, #tpu.memory_space<hbm>> -> memref<16384xi32, #tpu.memory_space<hbm>>
    tpu.wait_dma2 semaphore(%arg7 : memref<!tpu.dma_semaphore, #tpu.memory_space<semaphore_mem>>) src(%dma_wait3A_180 : memref<16384xi32, #tpu.memory_space<hbm>>) dst(%dma_wait3A_177 : memref<16384xi32, #tpu.memory_space<vmem>>)
    %mul3A_181 = arith.constant 131072 : i32
    %mul3A_182 = arith.muli %select_n3A, %mul3A_181 : i32
    %add3A_183 = arith.constant 32768 : i32
    %add3A_184 = arith.addi %mul3A_182, %add3A_183 : i32
    %dma_start3A_185 = arith.constant 32768 : i32
    %dma_start3A_186 = tpu.memref_slice %arg4[%dma_start3A_185] : memref<81920xi32, #tpu.memory_space<vmem>> -> memref<16384xi32, #tpu.memory_space<vmem>>
    %dma_start3A_187 = tpu.memref_slice %arg3[%select_n3A_34, %add3A_184] : memref<8x1048576xi32, #tpu.memory_space<hbm>> -> memref<1x16384xi32, #tpu.memory_space<hbm>>
    %dma_start3A_188 = tpu.memref_squeeze %dma_start3A_187 : memref<1x16384xi32, #tpu.memory_space<hbm>> -> memref<16384xi32, #tpu.memory_space<hbm>>
    %dma_start3A_189 = tpu.memref_slice %arg3[%select_n3A_34, %add3A_184] : memref<8x1048576xi32, #tpu.memory_space<hbm>> -> memref<1x16384xi32, #tpu.memory_space<hbm>>
    %dma_start3A_190 = tpu.memref_squeeze %dma_start3A_189 : memref<1x16384xi32, #tpu.memory_space<hbm>> -> memref<16384xi32, #tpu.memory_space<hbm>>
    %dma_start3A_191 = arith.constant 32768 : i32
    %dma_start3A_192 = tpu.memref_slice %arg4[%dma_start3A_191] : memref<81920xi32, #tpu.memory_space<vmem>> -> memref<16384xi32, #tpu.memory_space<vmem>>
    tpu.enqueue_dma source(%dma_start3A_192 : memref<16384xi32, #tpu.memory_space<vmem>>) target(%dma_start3A_190 : memref<16384xi32, #tpu.memory_space<hbm>>) target_semaphore(%arg12 : memref<!tpu.dma_semaphore, #tpu.memory_space<semaphore_mem>>)
    %dma_wait3A_193 = arith.constant 0 : i32
    %dma_wait3A_194 = tpu.memref_slice %arg4[%dma_wait3A_193] : memref<81920xi32, #tpu.memory_space<vmem>> -> memref<16384xi32, #tpu.memory_space<vmem>>
    %dma_wait3A_195 = tpu.memref_slice %arg3[%select_n3A_34, %add3A_120] : memref<8x1048576xi32, #tpu.memory_space<hbm>> -> memref<1x16384xi32, #tpu.memory_space<hbm>>
    %dma_wait3A_196 = tpu.memref_squeeze %dma_wait3A_195 : memref<1x16384xi32, #tpu.memory_space<hbm>> -> memref<16384xi32, #tpu.memory_space<hbm>>
    %dma_wait3A_197 = tpu.memref_slice %arg3[%select_n3A_34, %add3A_120] : memref<8x1048576xi32, #tpu.memory_space<hbm>> -> memref<1x16384xi32, #tpu.memory_space<hbm>>
    %dma_wait3A_198 = tpu.memref_squeeze %dma_wait3A_197 : memref<1x16384xi32, #tpu.memory_space<hbm>> -> memref<16384xi32, #tpu.memory_space<hbm>>
    %dma_wait3A_199 = arith.constant 0 : i32
    %dma_wait3A_200 = tpu.memref_slice %arg4[%dma_wait3A_199] : memref<81920xi32, #tpu.memory_space<vmem>> -> memref<16384xi32, #tpu.memory_space<vmem>>
    tpu.wait_dma2 semaphore(%arg10 : memref<!tpu.dma_semaphore, #tpu.memory_space<semaphore_mem>>) src(%dma_wait3A_200 : memref<16384xi32, #tpu.memory_space<vmem>>) dst(%dma_wait3A_198 : memref<16384xi32, #tpu.memory_space<hbm>>)
    %dma_start3A_201 = arith.constant 0 : i32
    %dma_start3A_202 = tpu.memref_slice %arg4[%dma_start3A_201] : memref<81920xi32, #tpu.memory_space<vmem>> -> memref<16384xi32, #tpu.memory_space<vmem>>
    %dma_start3A_203 = arith.constant 81920 : i32
    %dma_start3A_204 = tpu.memref_slice %arg2[%select_n3A, %select_n3A_34, %dma_start3A_203] : memref<8x8x131072xi32, #tpu.memory_space<hbm>> -> memref<1x1x16384xi32, #tpu.memory_space<hbm>>
    %dma_start3A_205 = tpu.memref_squeeze %dma_start3A_204 : memref<1x1x16384xi32, #tpu.memory_space<hbm>> -> memref<16384xi32, #tpu.memory_space<hbm>>
    %dma_start3A_206 = arith.constant 0 : i32
    %dma_start3A_207 = tpu.memref_slice %arg4[%dma_start3A_206] : memref<81920xi32, #tpu.memory_space<vmem>> -> memref<16384xi32, #tpu.memory_space<vmem>>
    %dma_start3A_208 = arith.constant 81920 : i32
    %dma_start3A_209 = tpu.memref_slice %arg2[%select_n3A, %select_n3A_34, %dma_start3A_208] : memref<8x8x131072xi32, #tpu.memory_space<hbm>> -> memref<1x1x16384xi32, #tpu.memory_space<hbm>>
    %dma_start3A_210 = tpu.memref_squeeze %dma_start3A_209 : memref<1x1x16384xi32, #tpu.memory_space<hbm>> -> memref<16384xi32, #tpu.memory_space<hbm>>
    tpu.enqueue_dma source(%dma_start3A_210 : memref<16384xi32, #tpu.memory_space<hbm>>) target(%dma_start3A_207 : memref<16384xi32, #tpu.memory_space<vmem>>) target_semaphore(%arg5 : memref<!tpu.dma_semaphore, #tpu.memory_space<semaphore_mem>>)
    %dma_wait3A_211 = arith.constant 49152 : i32
    %dma_wait3A_212 = tpu.memref_slice %arg4[%dma_wait3A_211] : memref<81920xi32, #tpu.memory_space<vmem>> -> memref<16384xi32, #tpu.memory_space<vmem>>
    %dma_wait3A_213 = arith.constant 49152 : i32
    %dma_wait3A_214 = tpu.memref_slice %arg2[%select_n3A, %select_n3A_34, %dma_wait3A_213] : memref<8x8x131072xi32, #tpu.memory_space<hbm>> -> memref<1x1x16384xi32, #tpu.memory_space<hbm>>
    %dma_wait3A_215 = tpu.memref_squeeze %dma_wait3A_214 : memref<1x1x16384xi32, #tpu.memory_space<hbm>> -> memref<16384xi32, #tpu.memory_space<hbm>>
    %dma_wait3A_216 = arith.constant 49152 : i32
    %dma_wait3A_217 = tpu.memref_slice %arg4[%dma_wait3A_216] : memref<81920xi32, #tpu.memory_space<vmem>> -> memref<16384xi32, #tpu.memory_space<vmem>>
    %dma_wait3A_218 = arith.constant 49152 : i32
    %dma_wait3A_219 = tpu.memref_slice %arg2[%select_n3A, %select_n3A_34, %dma_wait3A_218] : memref<8x8x131072xi32, #tpu.memory_space<hbm>> -> memref<1x1x16384xi32, #tpu.memory_space<hbm>>
    %dma_wait3A_220 = tpu.memref_squeeze %dma_wait3A_219 : memref<1x1x16384xi32, #tpu.memory_space<hbm>> -> memref<16384xi32, #tpu.memory_space<hbm>>
    tpu.wait_dma2 semaphore(%arg8 : memref<!tpu.dma_semaphore, #tpu.memory_space<semaphore_mem>>) src(%dma_wait3A_220 : memref<16384xi32, #tpu.memory_space<hbm>>) dst(%dma_wait3A_217 : memref<16384xi32, #tpu.memory_space<vmem>>)
    %mul3A_221 = arith.constant 131072 : i32
    %mul3A_222 = arith.muli %select_n3A, %mul3A_221 : i32
    %add3A_223 = arith.constant 49152 : i32
    %add3A_224 = arith.addi %mul3A_222, %add3A_223 : i32
    %dma_start3A_225 = arith.constant 49152 : i32
    %dma_start3A_226 = tpu.memref_slice %arg4[%dma_start3A_225] : memref<81920xi32, #tpu.memory_space<vmem>> -> memref<16384xi32, #tpu.memory_space<vmem>>
    %dma_start3A_227 = tpu.memref_slice %arg3[%select_n3A_34, %add3A_224] : memref<8x1048576xi32, #tpu.memory_space<hbm>> -> memref<1x16384xi32, #tpu.memory_space<hbm>>
    %dma_start3A_228 = tpu.memref_squeeze %dma_start3A_227 : memref<1x16384xi32, #tpu.memory_space<hbm>> -> memref<16384xi32, #tpu.memory_space<hbm>>
    %dma_start3A_229 = tpu.memref_slice %arg3[%select_n3A_34, %add3A_224] : memref<8x1048576xi32, #tpu.memory_space<hbm>> -> memref<1x16384xi32, #tpu.memory_space<hbm>>
    %dma_start3A_230 = tpu.memref_squeeze %dma_start3A_229 : memref<1x16384xi32, #tpu.memory_space<hbm>> -> memref<16384xi32, #tpu.memory_space<hbm>>
    %dma_start3A_231 = arith.constant 49152 : i32
    %dma_start3A_232 = tpu.memref_slice %arg4[%dma_start3A_231] : memref<81920xi32, #tpu.memory_space<vmem>> -> memref<16384xi32, #tpu.memory_space<vmem>>
    tpu.enqueue_dma source(%dma_start3A_232 : memref<16384xi32, #tpu.memory_space<vmem>>) target(%dma_start3A_230 : memref<16384xi32, #tpu.memory_space<hbm>>) target_semaphore(%arg13 : memref<!tpu.dma_semaphore, #tpu.memory_space<semaphore_mem>>)
    %dma_wait3A_233 = arith.constant 16384 : i32
    %dma_wait3A_234 = tpu.memref_slice %arg4[%dma_wait3A_233] : memref<81920xi32, #tpu.memory_space<vmem>> -> memref<16384xi32, #tpu.memory_space<vmem>>
    %dma_wait3A_235 = tpu.memref_slice %arg3[%select_n3A_34, %add3A_152] : memref<8x1048576xi32, #tpu.memory_space<hbm>> -> memref<1x16384xi32, #tpu.memory_space<hbm>>
    %dma_wait3A_236 = tpu.memref_squeeze %dma_wait3A_235 : memref<1x16384xi32, #tpu.memory_space<hbm>> -> memref<16384xi32, #tpu.memory_space<hbm>>
    %dma_wait3A_237 = tpu.memref_slice %arg3[%select_n3A_34, %add3A_152] : memref<8x1048576xi32, #tpu.memory_space<hbm>> -> memref<1x16384xi32, #tpu.memory_space<hbm>>
    %dma_wait3A_238 = tpu.memref_squeeze %dma_wait3A_237 : memref<1x16384xi32, #tpu.memory_space<hbm>> -> memref<16384xi32, #tpu.memory_space<hbm>>
    %dma_wait3A_239 = arith.constant 16384 : i32
    %dma_wait3A_240 = tpu.memref_slice %arg4[%dma_wait3A_239] : memref<81920xi32, #tpu.memory_space<vmem>> -> memref<16384xi32, #tpu.memory_space<vmem>>
    tpu.wait_dma2 semaphore(%arg11 : memref<!tpu.dma_semaphore, #tpu.memory_space<semaphore_mem>>) src(%dma_wait3A_240 : memref<16384xi32, #tpu.memory_space<vmem>>) dst(%dma_wait3A_238 : memref<16384xi32, #tpu.memory_space<hbm>>)
    %dma_start3A_241 = arith.constant 16384 : i32
    %dma_start3A_242 = tpu.memref_slice %arg4[%dma_start3A_241] : memref<81920xi32, #tpu.memory_space<vmem>> -> memref<16384xi32, #tpu.memory_space<vmem>>
    %dma_start3A_243 = arith.constant 98304 : i32
    %dma_start3A_244 = tpu.memref_slice %arg2[%select_n3A, %select_n3A_34, %dma_start3A_243] : memref<8x8x131072xi32, #tpu.memory_space<hbm>> -> memref<1x1x16384xi32, #tpu.memory_space<hbm>>
    %dma_start3A_245 = tpu.memref_squeeze %dma_start3A_244 : memref<1x1x16384xi32, #tpu.memory_space<hbm>> -> memref<16384xi32, #tpu.memory_space<hbm>>
    %dma_start3A_246 = arith.constant 16384 : i32
    %dma_start3A_247 = tpu.memref_slice %arg4[%dma_start3A_246] : memref<81920xi32, #tpu.memory_space<vmem>> -> memref<16384xi32, #tpu.memory_space<vmem>>
    %dma_start3A_248 = arith.constant 98304 : i32
    %dma_start3A_249 = tpu.memref_slice %arg2[%select_n3A, %select_n3A_34, %dma_start3A_248] : memref<8x8x131072xi32, #tpu.memory_space<hbm>> -> memref<1x1x16384xi32, #tpu.memory_space<hbm>>
    %dma_start3A_250 = tpu.memref_squeeze %dma_start3A_249 : memref<1x1x16384xi32, #tpu.memory_space<hbm>> -> memref<16384xi32, #tpu.memory_space<hbm>>
    tpu.enqueue_dma source(%dma_start3A_250 : memref<16384xi32, #tpu.memory_space<hbm>>) target(%dma_start3A_247 : memref<16384xi32, #tpu.memory_space<vmem>>) target_semaphore(%arg6 : memref<!tpu.dma_semaphore, #tpu.memory_space<semaphore_mem>>)
    %dma_wait3A_251 = arith.constant 65536 : i32
    %dma_wait3A_252 = tpu.memref_slice %arg4[%dma_wait3A_251] : memref<81920xi32, #tpu.memory_space<vmem>> -> memref<16384xi32, #tpu.memory_space<vmem>>
    %dma_wait3A_253 = arith.constant 65536 : i32
    %dma_wait3A_254 = tpu.memref_slice %arg2[%select_n3A, %select_n3A_34, %dma_wait3A_253] : memref<8x8x131072xi32, #tpu.memory_space<hbm>> -> memref<1x1x16384xi32, #tpu.memory_space<hbm>>
    %dma_wait3A_255 = tpu.memref_squeeze %dma_wait3A_254 : memref<1x1x16384xi32, #tpu.memory_space<hbm>> -> memref<16384xi32, #tpu.memory_space<hbm>>
    %dma_wait3A_256 = arith.constant 65536 : i32
    %dma_wait3A_257 = tpu.memref_slice %arg4[%dma_wait3A_256] : memref<81920xi32, #tpu.memory_space<vmem>> -> memref<16384xi32, #tpu.memory_space<vmem>>
    %dma_wait3A_258 = arith.constant 65536 : i32
    %dma_wait3A_259 = tpu.memref_slice %arg2[%select_n3A, %select_n3A_34, %dma_wait3A_258] : memref<8x8x131072xi32, #tpu.memory_space<hbm>> -> memref<1x1x16384xi32, #tpu.memory_space<hbm>>
    %dma_wait3A_260 = tpu.memref_squeeze %dma_wait3A_259 : memref<1x1x16384xi32, #tpu.memory_space<hbm>> -> memref<16384xi32, #tpu.memory_space<hbm>>
    tpu.wait_dma2 semaphore(%arg9 : memref<!tpu.dma_semaphore, #tpu.memory_space<semaphore_mem>>) src(%dma_wait3A_260 : memref<16384xi32, #tpu.memory_space<hbm>>) dst(%dma_wait3A_257 : memref<16384xi32, #tpu.memory_space<vmem>>)
    %mul3A_261 = arith.constant 131072 : i32
    %mul3A_262 = arith.muli %select_n3A, %mul3A_261 : i32
    %add3A_263 = arith.constant 65536 : i32
    %add3A_264 = arith.addi %mul3A_262, %add3A_263 : i32
    %dma_start3A_265 = arith.constant 65536 : i32
    %dma_start3A_266 = tpu.memref_slice %arg4[%dma_start3A_265] : memref<81920xi32, #tpu.memory_space<vmem>> -> memref<16384xi32, #tpu.memory_space<vmem>>
    %dma_start3A_267 = tpu.memref_slice %arg3[%select_n3A_34, %add3A_264] : memref<8x1048576xi32, #tpu.memory_space<hbm>> -> memref<1x16384xi32, #tpu.memory_space<hbm>>
    %dma_start3A_268 = tpu.memref_squeeze %dma_start3A_267 : memref<1x16384xi32, #tpu.memory_space<hbm>> -> memref<16384xi32, #tpu.memory_space<hbm>>
    %dma_start3A_269 = tpu.memref_slice %arg3[%select_n3A_34, %add3A_264] : memref<8x1048576xi32, #tpu.memory_space<hbm>> -> memref<1x16384xi32, #tpu.memory_space<hbm>>
    %dma_start3A_270 = tpu.memref_squeeze %dma_start3A_269 : memref<1x16384xi32, #tpu.memory_space<hbm>> -> memref<16384xi32, #tpu.memory_space<hbm>>
    %dma_start3A_271 = arith.constant 65536 : i32
    %dma_start3A_272 = tpu.memref_slice %arg4[%dma_start3A_271] : memref<81920xi32, #tpu.memory_space<vmem>> -> memref<16384xi32, #tpu.memory_space<vmem>>
    tpu.enqueue_dma source(%dma_start3A_272 : memref<16384xi32, #tpu.memory_space<vmem>>) target(%dma_start3A_270 : memref<16384xi32, #tpu.memory_space<hbm>>) target_semaphore(%arg14 : memref<!tpu.dma_semaphore, #tpu.memory_space<semaphore_mem>>)
    %dma_wait3A_273 = arith.constant 32768 : i32
    %dma_wait3A_274 = tpu.memref_slice %arg4[%dma_wait3A_273] : memref<81920xi32, #tpu.memory_space<vmem>> -> memref<16384xi32, #tpu.memory_space<vmem>>
    %dma_wait3A_275 = tpu.memref_slice %arg3[%select_n3A_34, %add3A_184] : memref<8x1048576xi32, #tpu.memory_space<hbm>> -> memref<1x16384xi32, #tpu.memory_space<hbm>>
    %dma_wait3A_276 = tpu.memref_squeeze %dma_wait3A_275 : memref<1x16384xi32, #tpu.memory_space<hbm>> -> memref<16384xi32, #tpu.memory_space<hbm>>
    %dma_wait3A_277 = tpu.memref_slice %arg3[%select_n3A_34, %add3A_184] : memref<8x1048576xi32, #tpu.memory_space<hbm>> -> memref<1x16384xi32, #tpu.memory_space<hbm>>
    %dma_wait3A_278 = tpu.memref_squeeze %dma_wait3A_277 : memref<1x16384xi32, #tpu.memory_space<hbm>> -> memref<16384xi32, #tpu.memory_space<hbm>>
    %dma_wait3A_279 = arith.constant 32768 : i32
    %dma_wait3A_280 = tpu.memref_slice %arg4[%dma_wait3A_279] : memref<81920xi32, #tpu.memory_space<vmem>> -> memref<16384xi32, #tpu.memory_space<vmem>>
    tpu.wait_dma2 semaphore(%arg12 : memref<!tpu.dma_semaphore, #tpu.memory_space<semaphore_mem>>) src(%dma_wait3A_280 : memref<16384xi32, #tpu.memory_space<vmem>>) dst(%dma_wait3A_278 : memref<16384xi32, #tpu.memory_space<hbm>>)
    %dma_start3A_281 = arith.constant 32768 : i32
    %dma_start3A_282 = tpu.memref_slice %arg4[%dma_start3A_281] : memref<81920xi32, #tpu.memory_space<vmem>> -> memref<16384xi32, #tpu.memory_space<vmem>>
    %dma_start3A_283 = arith.constant 114688 : i32
    %dma_start3A_284 = tpu.memref_slice %arg2[%select_n3A, %select_n3A_34, %dma_start3A_283] : memref<8x8x131072xi32, #tpu.memory_space<hbm>> -> memref<1x1x16384xi32, #tpu.memory_space<hbm>>
    %dma_start3A_285 = tpu.memref_squeeze %dma_start3A_284 : memref<1x1x16384xi32, #tpu.memory_space<hbm>> -> memref<16384xi32, #tpu.memory_space<hbm>>
    %dma_start3A_286 = arith.constant 32768 : i32
    %dma_start3A_287 = tpu.memref_slice %arg4[%dma_start3A_286] : memref<81920xi32, #tpu.memory_space<vmem>> -> memref<16384xi32, #tpu.memory_space<vmem>>
    %dma_start3A_288 = arith.constant 114688 : i32
    %dma_start3A_289 = tpu.memref_slice %arg2[%select_n3A, %select_n3A_34, %dma_start3A_288] : memref<8x8x131072xi32, #tpu.memory_space<hbm>> -> memref<1x1x16384xi32, #tpu.memory_space<hbm>>
    %dma_start3A_290 = tpu.memref_squeeze %dma_start3A_289 : memref<1x1x16384xi32, #tpu.memory_space<hbm>> -> memref<16384xi32, #tpu.memory_space<hbm>>
    tpu.enqueue_dma source(%dma_start3A_290 : memref<16384xi32, #tpu.memory_space<hbm>>) target(%dma_start3A_287 : memref<16384xi32, #tpu.memory_space<vmem>>) target_semaphore(%arg7 : memref<!tpu.dma_semaphore, #tpu.memory_space<semaphore_mem>>)
    %dma_wait3A_291 = arith.constant 0 : i32
    %dma_wait3A_292 = tpu.memref_slice %arg4[%dma_wait3A_291] : memref<81920xi32, #tpu.memory_space<vmem>> -> memref<16384xi32, #tpu.memory_space<vmem>>
    %dma_wait3A_293 = arith.constant 81920 : i32
    %dma_wait3A_294 = tpu.memref_slice %arg2[%select_n3A, %select_n3A_34, %dma_wait3A_293] : memref<8x8x131072xi32, #tpu.memory_space<hbm>> -> memref<1x1x16384xi32, #tpu.memory_space<hbm>>
    %dma_wait3A_295 = tpu.memref_squeeze %dma_wait3A_294 : memref<1x1x16384xi32, #tpu.memory_space<hbm>> -> memref<16384xi32, #tpu.memory_space<hbm>>
    %dma_wait3A_296 = arith.constant 0 : i32
    %dma_wait3A_297 = tpu.memref_slice %arg4[%dma_wait3A_296] : memref<81920xi32, #tpu.memory_space<vmem>> -> memref<16384xi32, #tpu.memory_space<vmem>>
    %dma_wait3A_298 = arith.constant 81920 : i32
    %dma_wait3A_299 = tpu.memref_slice %arg2[%select_n3A, %select_n3A_34, %dma_wait3A_298] : memref<8x8x131072xi32, #tpu.memory_space<hbm>> -> memref<1x1x16384xi32, #tpu.memory_space<hbm>>
    %dma_wait3A_300 = tpu.memref_squeeze %dma_wait3A_299 : memref<1x1x16384xi32, #tpu.memory_space<hbm>> -> memref<16384xi32, #tpu.memory_space<hbm>>
    tpu.wait_dma2 semaphore(%arg5 : memref<!tpu.dma_semaphore, #tpu.memory_space<semaphore_mem>>) src(%dma_wait3A_300 : memref<16384xi32, #tpu.memory_space<hbm>>) dst(%dma_wait3A_297 : memref<16384xi32, #tpu.memory_space<vmem>>)
    %mul3A_301 = arith.constant 131072 : i32
    %mul3A_302 = arith.muli %select_n3A, %mul3A_301 : i32
    %add3A_303 = arith.constant 81920 : i32
    %add3A_304 = arith.addi %mul3A_302, %add3A_303 : i32
    %dma_start3A_305 = arith.constant 0 : i32
    %dma_start3A_306 = tpu.memref_slice %arg4[%dma_start3A_305] : memref<81920xi32, #tpu.memory_space<vmem>> -> memref<16384xi32, #tpu.memory_space<vmem>>
    %dma_start3A_307 = tpu.memref_slice %arg3[%select_n3A_34, %add3A_304] : memref<8x1048576xi32, #tpu.memory_space<hbm>> -> memref<1x16384xi32, #tpu.memory_space<hbm>>
    %dma_start3A_308 = tpu.memref_squeeze %dma_start3A_307 : memref<1x16384xi32, #tpu.memory_space<hbm>> -> memref<16384xi32, #tpu.memory_space<hbm>>
    %dma_start3A_309 = tpu.memref_slice %arg3[%select_n3A_34, %add3A_304] : memref<8x1048576xi32, #tpu.memory_space<hbm>> -> memref<1x16384xi32, #tpu.memory_space<hbm>>
    %dma_start3A_310 = tpu.memref_squeeze %dma_start3A_309 : memref<1x16384xi32, #tpu.memory_space<hbm>> -> memref<16384xi32, #tpu.memory_space<hbm>>
    %dma_start3A_311 = arith.constant 0 : i32
    %dma_start3A_312 = tpu.memref_slice %arg4[%dma_start3A_311] : memref<81920xi32, #tpu.memory_space<vmem>> -> memref<16384xi32, #tpu.memory_space<vmem>>
    tpu.enqueue_dma source(%dma_start3A_312 : memref<16384xi32, #tpu.memory_space<vmem>>) target(%dma_start3A_310 : memref<16384xi32, #tpu.memory_space<hbm>>) target_semaphore(%arg10 : memref<!tpu.dma_semaphore, #tpu.memory_space<semaphore_mem>>)
    %dma_wait3A_313 = arith.constant 49152 : i32
    %dma_wait3A_314 = tpu.memref_slice %arg4[%dma_wait3A_313] : memref<81920xi32, #tpu.memory_space<vmem>> -> memref<16384xi32, #tpu.memory_space<vmem>>
    %dma_wait3A_315 = tpu.memref_slice %arg3[%select_n3A_34, %add3A_224] : memref<8x1048576xi32, #tpu.memory_space<hbm>> -> memref<1x16384xi32, #tpu.memory_space<hbm>>
    %dma_wait3A_316 = tpu.memref_squeeze %dma_wait3A_315 : memref<1x16384xi32, #tpu.memory_space<hbm>> -> memref<16384xi32, #tpu.memory_space<hbm>>
    %dma_wait3A_317 = tpu.memref_slice %arg3[%select_n3A_34, %add3A_224] : memref<8x1048576xi32, #tpu.memory_space<hbm>> -> memref<1x16384xi32, #tpu.memory_space<hbm>>
    %dma_wait3A_318 = tpu.memref_squeeze %dma_wait3A_317 : memref<1x16384xi32, #tpu.memory_space<hbm>> -> memref<16384xi32, #tpu.memory_space<hbm>>
    %dma_wait3A_319 = arith.constant 49152 : i32
    %dma_wait3A_320 = tpu.memref_slice %arg4[%dma_wait3A_319] : memref<81920xi32, #tpu.memory_space<vmem>> -> memref<16384xi32, #tpu.memory_space<vmem>>
    tpu.wait_dma2 semaphore(%arg13 : memref<!tpu.dma_semaphore, #tpu.memory_space<semaphore_mem>>) src(%dma_wait3A_320 : memref<16384xi32, #tpu.memory_space<vmem>>) dst(%dma_wait3A_318 : memref<16384xi32, #tpu.memory_space<hbm>>)
    %dma_start3A_321 = arith.constant 49152 : i32
    %dma_start3A_322 = tpu.memref_slice %arg4[%dma_start3A_321] : memref<81920xi32, #tpu.memory_space<vmem>> -> memref<16384xi32, #tpu.memory_space<vmem>>
    %dma_start3A_323 = arith.constant 0 : i32
    %dma_start3A_324 = tpu.memref_slice %arg2[%select_n3A_62, %select_n3A_78, %dma_start3A_323] : memref<8x8x131072xi32, #tpu.memory_space<hbm>> -> memref<1x1x16384xi32, #tpu.memory_space<hbm>>
    %dma_start3A_325 = tpu.memref_squeeze %dma_start3A_324 : memref<1x1x16384xi32, #tpu.memory_space<hbm>> -> memref<16384xi32, #tpu.memory_space<hbm>>
    %dma_start3A_326 = arith.constant 49152 : i32
    %dma_start3A_327 = tpu.memref_slice %arg4[%dma_start3A_326] : memref<81920xi32, #tpu.memory_space<vmem>> -> memref<16384xi32, #tpu.memory_space<vmem>>
    %dma_start3A_328 = arith.constant 0 : i32
    %dma_start3A_329 = tpu.memref_slice %arg2[%select_n3A_62, %select_n3A_78, %dma_start3A_328] : memref<8x8x131072xi32, #tpu.memory_space<hbm>> -> memref<1x1x16384xi32, #tpu.memory_space<hbm>>
    %dma_start3A_330 = tpu.memref_squeeze %dma_start3A_329 : memref<1x1x16384xi32, #tpu.memory_space<hbm>> -> memref<16384xi32, #tpu.memory_space<hbm>>
    tpu.enqueue_dma source(%dma_start3A_330 : memref<16384xi32, #tpu.memory_space<hbm>>) target(%dma_start3A_327 : memref<16384xi32, #tpu.memory_space<vmem>>) target_semaphore(%arg8 : memref<!tpu.dma_semaphore, #tpu.memory_space<semaphore_mem>>)
    %dma_wait3A_331 = arith.constant 16384 : i32
    %dma_wait3A_332 = tpu.memref_slice %arg4[%dma_wait3A_331] : memref<81920xi32, #tpu.memory_space<vmem>> -> memref<16384xi32, #tpu.memory_space<vmem>>
    %dma_wait3A_333 = arith.constant 98304 : i32
    %dma_wait3A_334 = tpu.memref_slice %arg2[%select_n3A, %select_n3A_34, %dma_wait3A_333] : memref<8x8x131072xi32, #tpu.memory_space<hbm>> -> memref<1x1x16384xi32, #tpu.memory_space<hbm>>
    %dma_wait3A_335 = tpu.memref_squeeze %dma_wait3A_334 : memref<1x1x16384xi32, #tpu.memory_space<hbm>> -> memref<16384xi32, #tpu.memory_space<hbm>>
    %dma_wait3A_336 = arith.constant 16384 : i32
    %dma_wait3A_337 = tpu.memref_slice %arg4[%dma_wait3A_336] : memref<81920xi32, #tpu.memory_space<vmem>> -> memref<16384xi32, #tpu.memory_space<vmem>>
    %dma_wait3A_338 = arith.constant 98304 : i32
    %dma_wait3A_339 = tpu.memref_slice %arg2[%select_n3A, %select_n3A_34, %dma_wait3A_338] : memref<8x8x131072xi32, #tpu.memory_space<hbm>> -> memref<1x1x16384xi32, #tpu.memory_space<hbm>>
    %dma_wait3A_340 = tpu.memref_squeeze %dma_wait3A_339 : memref<1x1x16384xi32, #tpu.memory_space<hbm>> -> memref<16384xi32, #tpu.memory_space<hbm>>
    tpu.wait_dma2 semaphore(%arg6 : memref<!tpu.dma_semaphore, #tpu.memory_space<semaphore_mem>>) src(%dma_wait3A_340 : memref<16384xi32, #tpu.memory_space<hbm>>) dst(%dma_wait3A_337 : memref<16384xi32, #tpu.memory_space<vmem>>)
    %mul3A_341 = arith.constant 131072 : i32
    %mul3A_342 = arith.muli %select_n3A, %mul3A_341 : i32
    %add3A_343 = arith.constant 98304 : i32
    %add3A_344 = arith.addi %mul3A_342, %add3A_343 : i32
    %dma_start3A_345 = arith.constant 16384 : i32
    %dma_start3A_346 = tpu.memref_slice %arg4[%dma_start3A_345] : memref<81920xi32, #tpu.memory_space<vmem>> -> memref<16384xi32, #tpu.memory_space<vmem>>
    %dma_start3A_347 = tpu.memref_slice %arg3[%select_n3A_34, %add3A_344] : memref<8x1048576xi32, #tpu.memory_space<hbm>> -> memref<1x16384xi32, #tpu.memory_space<hbm>>
    %dma_start3A_348 = tpu.memref_squeeze %dma_start3A_347 : memref<1x16384xi32, #tpu.memory_space<hbm>> -> memref<16384xi32, #tpu.memory_space<hbm>>
    %dma_start3A_349 = tpu.memref_slice %arg3[%select_n3A_34, %add3A_344] : memref<8x1048576xi32, #tpu.memory_space<hbm>> -> memref<1x16384xi32, #tpu.memory_space<hbm>>
    %dma_start3A_350 = tpu.memref_squeeze %dma_start3A_349 : memref<1x16384xi32, #tpu.memory_space<hbm>> -> memref<16384xi32, #tpu.memory_space<hbm>>
    %dma_start3A_351 = arith.constant 16384 : i32
    %dma_start3A_352 = tpu.memref_slice %arg4[%dma_start3A_351] : memref<81920xi32, #tpu.memory_space<vmem>> -> memref<16384xi32, #tpu.memory_space<vmem>>
    tpu.enqueue_dma source(%dma_start3A_352 : memref<16384xi32, #tpu.memory_space<vmem>>) target(%dma_start3A_350 : memref<16384xi32, #tpu.memory_space<hbm>>) target_semaphore(%arg11 : memref<!tpu.dma_semaphore, #tpu.memory_space<semaphore_mem>>)
    %dma_wait3A_353 = arith.constant 65536 : i32
    %dma_wait3A_354 = tpu.memref_slice %arg4[%dma_wait3A_353] : memref<81920xi32, #tpu.memory_space<vmem>> -> memref<16384xi32, #tpu.memory_space<vmem>>
    %dma_wait3A_355 = tpu.memref_slice %arg3[%select_n3A_34, %add3A_264] : memref<8x1048576xi32, #tpu.memory_space<hbm>> -> memref<1x16384xi32, #tpu.memory_space<hbm>>
    %dma_wait3A_356 = tpu.memref_squeeze %dma_wait3A_355 : memref<1x16384xi32, #tpu.memory_space<hbm>> -> memref<16384xi32, #tpu.memory_space<hbm>>
    %dma_wait3A_357 = tpu.memref_slice %arg3[%select_n3A_34, %add3A_264] : memref<8x1048576xi32, #tpu.memory_space<hbm>> -> memref<1x16384xi32, #tpu.memory_space<hbm>>
    %dma_wait3A_358 = tpu.memref_squeeze %dma_wait3A_357 : memref<1x16384xi32, #tpu.memory_space<hbm>> -> memref<16384xi32, #tpu.memory_space<hbm>>
    %dma_wait3A_359 = arith.constant 65536 : i32
    %dma_wait3A_360 = tpu.memref_slice %arg4[%dma_wait3A_359] : memref<81920xi32, #tpu.memory_space<vmem>> -> memref<16384xi32, #tpu.memory_space<vmem>>
    tpu.wait_dma2 semaphore(%arg14 : memref<!tpu.dma_semaphore, #tpu.memory_space<semaphore_mem>>) src(%dma_wait3A_360 : memref<16384xi32, #tpu.memory_space<vmem>>) dst(%dma_wait3A_358 : memref<16384xi32, #tpu.memory_space<hbm>>)
    %dma_start3A_361 = arith.constant 65536 : i32
    %dma_start3A_362 = tpu.memref_slice %arg4[%dma_start3A_361] : memref<81920xi32, #tpu.memory_space<vmem>> -> memref<16384xi32, #tpu.memory_space<vmem>>
    %dma_start3A_363 = arith.constant 16384 : i32
    %dma_start3A_364 = tpu.memref_slice %arg2[%select_n3A_62, %select_n3A_78, %dma_start3A_363] : memref<8x8x131072xi32, #tpu.memory_space<hbm>> -> memref<1x1x16384xi32, #tpu.memory_space<hbm>>
    %dma_start3A_365 = tpu.memref_squeeze %dma_start3A_364 : memref<1x1x16384xi32, #tpu.memory_space<hbm>> -> memref<16384xi32, #tpu.memory_space<hbm>>
    %dma_start3A_366 = arith.constant 65536 : i32
    %dma_start3A_367 = tpu.memref_slice %arg4[%dma_start3A_366] : memref<81920xi32, #tpu.memory_space<vmem>> -> memref<16384xi32, #tpu.memory_space<vmem>>
    %dma_start3A_368 = arith.constant 16384 : i32
    %dma_start3A_369 = tpu.memref_slice %arg2[%select_n3A_62, %select_n3A_78, %dma_start3A_368] : memref<8x8x131072xi32, #tpu.memory_space<hbm>> -> memref<1x1x16384xi32, #tpu.memory_space<hbm>>
    %dma_start3A_370 = tpu.memref_squeeze %dma_start3A_369 : memref<1x1x16384xi32, #tpu.memory_space<hbm>> -> memref<16384xi32, #tpu.memory_space<hbm>>
    tpu.enqueue_dma source(%dma_start3A_370 : memref<16384xi32, #tpu.memory_space<hbm>>) target(%dma_start3A_367 : memref<16384xi32, #tpu.memory_space<vmem>>) target_semaphore(%arg9 : memref<!tpu.dma_semaphore, #tpu.memory_space<semaphore_mem>>)
    %dma_wait3A_371 = arith.constant 32768 : i32
    %dma_wait3A_372 = tpu.memref_slice %arg4[%dma_wait3A_371] : memref<81920xi32, #tpu.memory_space<vmem>> -> memref<16384xi32, #tpu.memory_space<vmem>>
    %dma_wait3A_373 = arith.constant 114688 : i32
    %dma_wait3A_374 = tpu.memref_slice %arg2[%select_n3A, %select_n3A_34, %dma_wait3A_373] : memref<8x8x131072xi32, #tpu.memory_space<hbm>> -> memref<1x1x16384xi32, #tpu.memory_space<hbm>>
    %dma_wait3A_375 = tpu.memref_squeeze %dma_wait3A_374 : memref<1x1x16384xi32, #tpu.memory_space<hbm>> -> memref<16384xi32, #tpu.memory_space<hbm>>
    %dma_wait3A_376 = arith.constant 32768 : i32
    %dma_wait3A_377 = tpu.memref_slice %arg4[%dma_wait3A_376] : memref<81920xi32, #tpu.memory_space<vmem>> -> memref<16384xi32, #tpu.memory_space<vmem>>
    %dma_wait3A_378 = arith.constant 114688 : i32
    %dma_wait3A_379 = tpu.memref_slice %arg2[%select_n3A, %select_n3A_34, %dma_wait3A_378] : memref<8x8x131072xi32, #tpu.memory_space<hbm>> -> memref<1x1x16384xi32, #tpu.memory_space<hbm>>
    %dma_wait3A_380 = tpu.memref_squeeze %dma_wait3A_379 : memref<1x1x16384xi32, #tpu.memory_space<hbm>> -> memref<16384xi32, #tpu.memory_space<hbm>>
    tpu.wait_dma2 semaphore(%arg7 : memref<!tpu.dma_semaphore, #tpu.memory_space<semaphore_mem>>) src(%dma_wait3A_380 : memref<16384xi32, #tpu.memory_space<hbm>>) dst(%dma_wait3A_377 : memref<16384xi32, #tpu.memory_space<vmem>>)
    %mul3A_381 = arith.constant 131072 : i32
    %mul3A_382 = arith.muli %select_n3A, %mul3A_381 : i32
    %add3A_383 = arith.constant 114688 : i32
    %add3A_384 = arith.addi %mul3A_382, %add3A_383 : i32
    %dma_start3A_385 = arith.constant 32768 : i32
    %dma_start3A_386 = tpu.memref_slice %arg4[%dma_start3A_385] : memref<81920xi32, #tpu.memory_space<vmem>> -> memref<16384xi32, #tpu.memory_space<vmem>>
    %dma_start3A_387 = tpu.memref_slice %arg3[%select_n3A_34, %add3A_384] : memref<8x1048576xi32, #tpu.memory_space<hbm>> -> memref<1x16384xi32, #tpu.memory_space<hbm>>
    %dma_start3A_388 = tpu.memref_squeeze %dma_start3A_387 : memref<1x16384xi32, #tpu.memory_space<hbm>> -> memref<16384xi32, #tpu.memory_space<hbm>>
    %dma_start3A_389 = tpu.memref_slice %arg3[%select_n3A_34, %add3A_384] : memref<8x1048576xi32, #tpu.memory_space<hbm>> -> memref<1x16384xi32, #tpu.memory_space<hbm>>
    %dma_start3A_390 = tpu.memref_squeeze %dma_start3A_389 : memref<1x16384xi32, #tpu.memory_space<hbm>> -> memref<16384xi32, #tpu.memory_space<hbm>>
    %dma_start3A_391 = arith.constant 32768 : i32
    %dma_start3A_392 = tpu.memref_slice %arg4[%dma_start3A_391] : memref<81920xi32, #tpu.memory_space<vmem>> -> memref<16384xi32, #tpu.memory_space<vmem>>
    tpu.enqueue_dma source(%dma_start3A_392 : memref<16384xi32, #tpu.memory_space<vmem>>) target(%dma_start3A_390 : memref<16384xi32, #tpu.memory_space<hbm>>) target_semaphore(%arg12 : memref<!tpu.dma_semaphore, #tpu.memory_space<semaphore_mem>>)
    %dma_wait3A_393 = arith.constant 0 : i32
    %dma_wait3A_394 = tpu.memref_slice %arg4[%dma_wait3A_393] : memref<81920xi32, #tpu.memory_space<vmem>> -> memref<16384xi32, #tpu.memory_space<vmem>>
    %dma_wait3A_395 = tpu.memref_slice %arg3[%select_n3A_34, %add3A_304] : memref<8x1048576xi32, #tpu.memory_space<hbm>> -> memref<1x16384xi32, #tpu.memory_space<hbm>>
    %dma_wait3A_396 = tpu.memref_squeeze %dma_wait3A_395 : memref<1x16384xi32, #tpu.memory_space<hbm>> -> memref<16384xi32, #tpu.memory_space<hbm>>
    %dma_wait3A_397 = tpu.memref_slice %arg3[%select_n3A_34, %add3A_304] : memref<8x1048576xi32, #tpu.memory_space<hbm>> -> memref<1x16384xi32, #tpu.memory_space<hbm>>
    %dma_wait3A_398 = tpu.memref_squeeze %dma_wait3A_397 : memref<1x16384xi32, #tpu.memory_space<hbm>> -> memref<16384xi32, #tpu.memory_space<hbm>>
    %dma_wait3A_399 = arith.constant 0 : i32
    %dma_wait3A_400 = tpu.memref_slice %arg4[%dma_wait3A_399] : memref<81920xi32, #tpu.memory_space<vmem>> -> memref<16384xi32, #tpu.memory_space<vmem>>
    tpu.wait_dma2 semaphore(%arg10 : memref<!tpu.dma_semaphore, #tpu.memory_space<semaphore_mem>>) src(%dma_wait3A_400 : memref<16384xi32, #tpu.memory_space<vmem>>) dst(%dma_wait3A_398 : memref<16384xi32, #tpu.memory_space<hbm>>)
    %dma_start3A_401 = arith.constant 0 : i32
    %dma_start3A_402 = tpu.memref_slice %arg4[%dma_start3A_401] : memref<81920xi32, #tpu.memory_space<vmem>> -> memref<16384xi32, #tpu.memory_space<vmem>>
    %dma_start3A_403 = arith.constant 32768 : i32
    %dma_start3A_404 = tpu.memref_slice %arg2[%select_n3A_62, %select_n3A_78, %dma_start3A_403] : memref<8x8x131072xi32, #tpu.memory_space<hbm>> -> memref<1x1x16384xi32, #tpu.memory_space<hbm>>
    %dma_start3A_405 = tpu.memref_squeeze %dma_start3A_404 : memref<1x1x16384xi32, #tpu.memory_space<hbm>> -> memref<16384xi32, #tpu.memory_space<hbm>>
    %dma_start3A_406 = arith.constant 0 : i32
    %dma_start3A_407 = tpu.memref_slice %arg4[%dma_start3A_406] : memref<81920xi32, #tpu.memory_space<vmem>> -> memref<16384xi32, #tpu.memory_space<vmem>>
    %dma_start3A_408 = arith.constant 32768 : i32
    %dma_start3A_409 = tpu.memref_slice %arg2[%select_n3A_62, %select_n3A_78, %dma_start3A_408] : memref<8x8x131072xi32, #tpu.memory_space<hbm>> -> memref<1x1x16384xi32, #tpu.memory_space<hbm>>
    %dma_start3A_410 = tpu.memref_squeeze %dma_start3A_409 : memref<1x1x16384xi32, #tpu.memory_space<hbm>> -> memref<16384xi32, #tpu.memory_space<hbm>>
    tpu.enqueue_dma source(%dma_start3A_410 : memref<16384xi32, #tpu.memory_space<hbm>>) target(%dma_start3A_407 : memref<16384xi32, #tpu.memory_space<vmem>>) target_semaphore(%arg5 : memref<!tpu.dma_semaphore, #tpu.memory_space<semaphore_mem>>)
    %dma_wait3A_411 = arith.constant 49152 : i32
    %dma_wait3A_412 = tpu.memref_slice %arg4[%dma_wait3A_411] : memref<81920xi32, #tpu.memory_space<vmem>> -> memref<16384xi32, #tpu.memory_space<vmem>>
    %dma_wait3A_413 = arith.constant 0 : i32
    %dma_wait3A_414 = tpu.memref_slice %arg2[%select_n3A_62, %select_n3A_78, %dma_wait3A_413] : memref<8x8x131072xi32, #tpu.memory_space<hbm>> -> memref<1x1x16384xi32, #tpu.memory_space<hbm>>
    %dma_wait3A_415 = tpu.memref_squeeze %dma_wait3A_414 : memref<1x1x16384xi32, #tpu.memory_space<hbm>> -> memref<16384xi32, #tpu.memory_space<hbm>>
    %dma_wait3A_416 = arith.constant 49152 : i32
    %dma_wait3A_417 = tpu.memref_slice %arg4[%dma_wait3A_416] : memref<81920xi32, #tpu.memory_space<vmem>> -> memref<16384xi32, #tpu.memory_space<vmem>>
    %dma_wait3A_418 = arith.constant 0 : i32
    %dma_wait3A_419 = tpu.memref_slice %arg2[%select_n3A_62, %select_n3A_78, %dma_wait3A_418] : memref<8x8x131072xi32, #tpu.memory_space<hbm>> -> memref<1x1x16384xi32, #tpu.memory_space<hbm>>
    %dma_wait3A_420 = tpu.memref_squeeze %dma_wait3A_419 : memref<1x1x16384xi32, #tpu.memory_space<hbm>> -> memref<16384xi32, #tpu.memory_space<hbm>>
    tpu.wait_dma2 semaphore(%arg8 : memref<!tpu.dma_semaphore, #tpu.memory_space<semaphore_mem>>) src(%dma_wait3A_420 : memref<16384xi32, #tpu.memory_space<hbm>>) dst(%dma_wait3A_417 : memref<16384xi32, #tpu.memory_space<vmem>>)
    %mul3A_421 = arith.constant 131072 : i32
    %mul3A_422 = arith.muli %select_n3A_62, %mul3A_421 : i32
    %add3A_423 = arith.constant 0 : i32
    %add3A_424 = arith.addi %mul3A_422, %add3A_423 : i32
    %dma_start3A_425 = arith.constant 49152 : i32
    %dma_start3A_426 = tpu.memref_slice %arg4[%dma_start3A_425] : memref<81920xi32, #tpu.memory_space<vmem>> -> memref<16384xi32, #tpu.memory_space<vmem>>
    %dma_start3A_427 = tpu.memref_slice %arg3[%select_n3A_78, %add3A_424] : memref<8x1048576xi32, #tpu.memory_space<hbm>> -> memref<1x16384xi32, #tpu.memory_space<hbm>>
    %dma_start3A_428 = tpu.memref_squeeze %dma_start3A_427 : memref<1x16384xi32, #tpu.memory_space<hbm>> -> memref<16384xi32, #tpu.memory_space<hbm>>
    %dma_start3A_429 = tpu.memref_slice %arg3[%select_n3A_78, %add3A_424] : memref<8x1048576xi32, #tpu.memory_space<hbm>> -> memref<1x16384xi32, #tpu.memory_space<hbm>>
    %dma_start3A_430 = tpu.memref_squeeze %dma_start3A_429 : memref<1x16384xi32, #tpu.memory_space<hbm>> -> memref<16384xi32, #tpu.memory_space<hbm>>
    %dma_start3A_431 = arith.constant 49152 : i32
    %dma_start3A_432 = tpu.memref_slice %arg4[%dma_start3A_431] : memref<81920xi32, #tpu.memory_space<vmem>> -> memref<16384xi32, #tpu.memory_space<vmem>>
    tpu.enqueue_dma source(%dma_start3A_432 : memref<16384xi32, #tpu.memory_space<vmem>>) target(%dma_start3A_430 : memref<16384xi32, #tpu.memory_space<hbm>>) target_semaphore(%arg13 : memref<!tpu.dma_semaphore, #tpu.memory_space<semaphore_mem>>)
    %dma_wait3A_433 = arith.constant 16384 : i32
    %dma_wait3A_434 = tpu.memref_slice %arg4[%dma_wait3A_433] : memref<81920xi32, #tpu.memory_space<vmem>> -> memref<16384xi32, #tpu.memory_space<vmem>>
    %dma_wait3A_435 = tpu.memref_slice %arg3[%select_n3A_34, %add3A_344] : memref<8x1048576xi32, #tpu.memory_space<hbm>> -> memref<1x16384xi32, #tpu.memory_space<hbm>>
    %dma_wait3A_436 = tpu.memref_squeeze %dma_wait3A_435 : memref<1x16384xi32, #tpu.memory_space<hbm>> -> memref<16384xi32, #tpu.memory_space<hbm>>
    %dma_wait3A_437 = tpu.memref_slice %arg3[%select_n3A_34, %add3A_344] : memref<8x1048576xi32, #tpu.memory_space<hbm>> -> memref<1x16384xi32, #tpu.memory_space<hbm>>
    %dma_wait3A_438 = tpu.memref_squeeze %dma_wait3A_437 : memref<1x16384xi32, #tpu.memory_space<hbm>> -> memref<16384xi32, #tpu.memory_space<hbm>>
    %dma_wait3A_439 = arith.constant 16384 : i32
    %dma_wait3A_440 = tpu.memref_slice %arg4[%dma_wait3A_439] : memref<81920xi32, #tpu.memory_space<vmem>> -> memref<16384xi32, #tpu.memory_space<vmem>>
    tpu.wait_dma2 semaphore(%arg11 : memref<!tpu.dma_semaphore, #tpu.memory_space<semaphore_mem>>) src(%dma_wait3A_440 : memref<16384xi32, #tpu.memory_space<vmem>>) dst(%dma_wait3A_438 : memref<16384xi32, #tpu.memory_space<hbm>>)
    %dma_start3A_441 = arith.constant 16384 : i32
    %dma_start3A_442 = tpu.memref_slice %arg4[%dma_start3A_441] : memref<81920xi32, #tpu.memory_space<vmem>> -> memref<16384xi32, #tpu.memory_space<vmem>>
    %dma_start3A_443 = arith.constant 49152 : i32
    %dma_start3A_444 = tpu.memref_slice %arg2[%select_n3A_62, %select_n3A_78, %dma_start3A_443] : memref<8x8x131072xi32, #tpu.memory_space<hbm>> -> memref<1x1x16384xi32, #tpu.memory_space<hbm>>
    %dma_start3A_445 = tpu.memref_squeeze %dma_start3A_444 : memref<1x1x16384xi32, #tpu.memory_space<hbm>> -> memref<16384xi32, #tpu.memory_space<hbm>>
    %dma_start3A_446 = arith.constant 16384 : i32
    %dma_start3A_447 = tpu.memref_slice %arg4[%dma_start3A_446] : memref<81920xi32, #tpu.memory_space<vmem>> -> memref<16384xi32, #tpu.memory_space<vmem>>
    %dma_start3A_448 = arith.constant 49152 : i32
    %dma_start3A_449 = tpu.memref_slice %arg2[%select_n3A_62, %select_n3A_78, %dma_start3A_448] : memref<8x8x131072xi32, #tpu.memory_space<hbm>> -> memref<1x1x16384xi32, #tpu.memory_space<hbm>>
    %dma_start3A_450 = tpu.memref_squeeze %dma_start3A_449 : memref<1x1x16384xi32, #tpu.memory_space<hbm>> -> memref<16384xi32, #tpu.memory_space<hbm>>
    tpu.enqueue_dma source(%dma_start3A_450 : memref<16384xi32, #tpu.memory_space<hbm>>) target(%dma_start3A_447 : memref<16384xi32, #tpu.memory_space<vmem>>) target_semaphore(%arg6 : memref<!tpu.dma_semaphore, #tpu.memory_space<semaphore_mem>>)
    %dma_wait3A_451 = arith.constant 65536 : i32
    %dma_wait3A_452 = tpu.memref_slice %arg4[%dma_wait3A_451] : memref<81920xi32, #tpu.memory_space<vmem>> -> memref<16384xi32, #tpu.memory_space<vmem>>
    %dma_wait3A_453 = arith.constant 16384 : i32
    %dma_wait3A_454 = tpu.memref_slice %arg2[%select_n3A_62, %select_n3A_78, %dma_wait3A_453] : memref<8x8x131072xi32, #tpu.memory_space<hbm>> -> memref<1x1x16384xi32, #tpu.memory_space<hbm>>
    %dma_wait3A_455 = tpu.memref_squeeze %dma_wait3A_454 : memref<1x1x16384xi32, #tpu.memory_space<hbm>> -> memref<16384xi32, #tpu.memory_space<hbm>>
    %dma_wait3A_456 = arith.constant 65536 : i32
    %dma_wait3A_457 = tpu.memref_slice %arg4[%dma_wait3A_456] : memref<81920xi32, #tpu.memory_space<vmem>> -> memref<16384xi32, #tpu.memory_space<vmem>>
    %dma_wait3A_458 = arith.constant 16384 : i32
    %dma_wait3A_459 = tpu.memref_slice %arg2[%select_n3A_62, %select_n3A_78, %dma_wait3A_458] : memref<8x8x131072xi32, #tpu.memory_space<hbm>> -> memref<1x1x16384xi32, #tpu.memory_space<hbm>>
    %dma_wait3A_460 = tpu.memref_squeeze %dma_wait3A_459 : memref<1x1x16384xi32, #tpu.memory_space<hbm>> -> memref<16384xi32, #tpu.memory_space<hbm>>
    tpu.wait_dma2 semaphore(%arg9 : memref<!tpu.dma_semaphore, #tpu.memory_space<semaphore_mem>>) src(%dma_wait3A_460 : memref<16384xi32, #tpu.memory_space<hbm>>) dst(%dma_wait3A_457 : memref<16384xi32, #tpu.memory_space<vmem>>)
    %mul3A_461 = arith.constant 131072 : i32
    %mul3A_462 = arith.muli %select_n3A_62, %mul3A_461 : i32
    %add3A_463 = arith.constant 16384 : i32
    %add3A_464 = arith.addi %mul3A_462, %add3A_463 : i32
    %dma_start3A_465 = arith.constant 65536 : i32
    %dma_start3A_466 = tpu.memref_slice %arg4[%dma_start3A_465] : memref<81920xi32, #tpu.memory_space<vmem>> -> memref<16384xi32, #tpu.memory_space<vmem>>
    %dma_start3A_467 = tpu.memref_slice %arg3[%select_n3A_78, %add3A_464] : memref<8x1048576xi32, #tpu.memory_space<hbm>> -> memref<1x16384xi32, #tpu.memory_space<hbm>>
    %dma_start3A_468 = tpu.memref_squeeze %dma_start3A_467 : memref<1x16384xi32, #tpu.memory_space<hbm>> -> memref<16384xi32, #tpu.memory_space<hbm>>
    %dma_start3A_469 = tpu.memref_slice %arg3[%select_n3A_78, %add3A_464] : memref<8x1048576xi32, #tpu.memory_space<hbm>> -> memref<1x16384xi32, #tpu.memory_space<hbm>>
    %dma_start3A_470 = tpu.memref_squeeze %dma_start3A_469 : memref<1x16384xi32, #tpu.memory_space<hbm>> -> memref<16384xi32, #tpu.memory_space<hbm>>
    %dma_start3A_471 = arith.constant 65536 : i32
    %dma_start3A_472 = tpu.memref_slice %arg4[%dma_start3A_471] : memref<81920xi32, #tpu.memory_space<vmem>> -> memref<16384xi32, #tpu.memory_space<vmem>>
    tpu.enqueue_dma source(%dma_start3A_472 : memref<16384xi32, #tpu.memory_space<vmem>>) target(%dma_start3A_470 : memref<16384xi32, #tpu.memory_space<hbm>>) target_semaphore(%arg14 : memref<!tpu.dma_semaphore, #tpu.memory_space<semaphore_mem>>)
    %dma_wait3A_473 = arith.constant 32768 : i32
    %dma_wait3A_474 = tpu.memref_slice %arg4[%dma_wait3A_473] : memref<81920xi32, #tpu.memory_space<vmem>> -> memref<16384xi32, #tpu.memory_space<vmem>>
    %dma_wait3A_475 = tpu.memref_slice %arg3[%select_n3A_34, %add3A_384] : memref<8x1048576xi32, #tpu.memory_space<hbm>> -> memref<1x16384xi32, #tpu.memory_space<hbm>>
    %dma_wait3A_476 = tpu.memref_squeeze %dma_wait3A_475 : memref<1x16384xi32, #tpu.memory_space<hbm>> -> memref<16384xi32, #tpu.memory_space<hbm>>
    %dma_wait3A_477 = tpu.memref_slice %arg3[%select_n3A_34, %add3A_384] : memref<8x1048576xi32, #tpu.memory_space<hbm>> -> memref<1x16384xi32, #tpu.memory_space<hbm>>
    %dma_wait3A_478 = tpu.memref_squeeze %dma_wait3A_477 : memref<1x16384xi32, #tpu.memory_space<hbm>> -> memref<16384xi32, #tpu.memory_space<hbm>>
    %dma_wait3A_479 = arith.constant 32768 : i32
    %dma_wait3A_480 = tpu.memref_slice %arg4[%dma_wait3A_479] : memref<81920xi32, #tpu.memory_space<vmem>> -> memref<16384xi32, #tpu.memory_space<vmem>>
    tpu.wait_dma2 semaphore(%arg12 : memref<!tpu.dma_semaphore, #tpu.memory_space<semaphore_mem>>) src(%dma_wait3A_480 : memref<16384xi32, #tpu.memory_space<vmem>>) dst(%dma_wait3A_478 : memref<16384xi32, #tpu.memory_space<hbm>>)
    %dma_start3A_481 = arith.constant 32768 : i32
    %dma_start3A_482 = tpu.memref_slice %arg4[%dma_start3A_481] : memref<81920xi32, #tpu.memory_space<vmem>> -> memref<16384xi32, #tpu.memory_space<vmem>>
    %dma_start3A_483 = arith.constant 65536 : i32
    %dma_start3A_484 = tpu.memref_slice %arg2[%select_n3A_62, %select_n3A_78, %dma_start3A_483] : memref<8x8x131072xi32, #tpu.memory_space<hbm>> -> memref<1x1x16384xi32, #tpu.memory_space<hbm>>
    %dma_start3A_485 = tpu.memref_squeeze %dma_start3A_484 : memref<1x1x16384xi32, #tpu.memory_space<hbm>> -> memref<16384xi32, #tpu.memory_space<hbm>>
    %dma_start3A_486 = arith.constant 32768 : i32
    %dma_start3A_487 = tpu.memref_slice %arg4[%dma_start3A_486] : memref<81920xi32, #tpu.memory_space<vmem>> -> memref<16384xi32, #tpu.memory_space<vmem>>
    %dma_start3A_488 = arith.constant 65536 : i32
    %dma_start3A_489 = tpu.memref_slice %arg2[%select_n3A_62, %select_n3A_78, %dma_start3A_488] : memref<8x8x131072xi32, #tpu.memory_space<hbm>> -> memref<1x1x16384xi32, #tpu.memory_space<hbm>>
    %dma_start3A_490 = tpu.memref_squeeze %dma_start3A_489 : memref<1x1x16384xi32, #tpu.memory_space<hbm>> -> memref<16384xi32, #tpu.memory_space<hbm>>
    tpu.enqueue_dma source(%dma_start3A_490 : memref<16384xi32, #tpu.memory_space<hbm>>) target(%dma_start3A_487 : memref<16384xi32, #tpu.memory_space<vmem>>) target_semaphore(%arg7 : memref<!tpu.dma_semaphore, #tpu.memory_space<semaphore_mem>>)
    %dma_wait3A_491 = arith.constant 0 : i32
    %dma_wait3A_492 = tpu.memref_slice %arg4[%dma_wait3A_491] : memref<81920xi32, #tpu.memory_space<vmem>> -> memref<16384xi32, #tpu.memory_space<vmem>>
    %dma_wait3A_493 = arith.constant 32768 : i32
    %dma_wait3A_494 = tpu.memref_slice %arg2[%select_n3A_62, %select_n3A_78, %dma_wait3A_493] : memref<8x8x131072xi32, #tpu.memory_space<hbm>> -> memref<1x1x16384xi32, #tpu.memory_space<hbm>>
    %dma_wait3A_495 = tpu.memref_squeeze %dma_wait3A_494 : memref<1x1x16384xi32, #tpu.memory_space<hbm>> -> memref<16384xi32, #tpu.memory_space<hbm>>
    %dma_wait3A_496 = arith.constant 0 : i32
    %dma_wait3A_497 = tpu.memref_slice %arg4[%dma_wait3A_496] : memref<81920xi32, #tpu.memory_space<vmem>> -> memref<16384xi32, #tpu.memory_space<vmem>>
    %dma_wait3A_498 = arith.constant 32768 : i32
    %dma_wait3A_499 = tpu.memref_slice %arg2[%select_n3A_62, %select_n3A_78, %dma_wait3A_498] : memref<8x8x131072xi32, #tpu.memory_space<hbm>> -> memref<1x1x16384xi32, #tpu.memory_space<hbm>>
    %dma_wait3A_500 = tpu.memref_squeeze %dma_wait3A_499 : memref<1x1x16384xi32, #tpu.memory_space<hbm>> -> memref<16384xi32, #tpu.memory_space<hbm>>
    tpu.wait_dma2 semaphore(%arg5 : memref<!tpu.dma_semaphore, #tpu.memory_space<semaphore_mem>>) src(%dma_wait3A_500 : memref<16384xi32, #tpu.memory_space<hbm>>) dst(%dma_wait3A_497 : memref<16384xi32, #tpu.memory_space<vmem>>)
    %mul3A_501 = arith.constant 131072 : i32
    %mul3A_502 = arith.muli %select_n3A_62, %mul3A_501 : i32
    %add3A_503 = arith.constant 32768 : i32
    %add3A_504 = arith.addi %mul3A_502, %add3A_503 : i32
    %dma_start3A_505 = arith.constant 0 : i32
    %dma_start3A_506 = tpu.memref_slice %arg4[%dma_start3A_505] : memref<81920xi32, #tpu.memory_space<vmem>> -> memref<16384xi32, #tpu.memory_space<vmem>>
    %dma_start3A_507 = tpu.memref_slice %arg3[%select_n3A_78, %add3A_504] : memref<8x1048576xi32, #tpu.memory_space<hbm>> -> memref<1x16384xi32, #tpu.memory_space<hbm>>
    %dma_start3A_508 = tpu.memref_squeeze %dma_start3A_507 : memref<1x16384xi32, #tpu.memory_space<hbm>> -> memref<16384xi32, #tpu.memory_space<hbm>>
    %dma_start3A_509 = tpu.memref_slice %arg3[%select_n3A_78, %add3A_504] : memref<8x1048576xi32, #tpu.memory_space<hbm>> -> memref<1x16384xi32, #tpu.memory_space<hbm>>
    %dma_start3A_510 = tpu.memref_squeeze %dma_start3A_509 : memref<1x16384xi32, #tpu.memory_space<hbm>> -> memref<16384xi32, #tpu.memory_space<hbm>>
    %dma_start3A_511 = arith.constant 0 : i32
    %dma_start3A_512 = tpu.memref_slice %arg4[%dma_start3A_511] : memref<81920xi32, #tpu.memory_space<vmem>> -> memref<16384xi32, #tpu.memory_space<vmem>>
    tpu.enqueue_dma source(%dma_start3A_512 : memref<16384xi32, #tpu.memory_space<vmem>>) target(%dma_start3A_510 : memref<16384xi32, #tpu.memory_space<hbm>>) target_semaphore(%arg10 : memref<!tpu.dma_semaphore, #tpu.memory_space<semaphore_mem>>)
    %dma_wait3A_513 = arith.constant 49152 : i32
    %dma_wait3A_514 = tpu.memref_slice %arg4[%dma_wait3A_513] : memref<81920xi32, #tpu.memory_space<vmem>> -> memref<16384xi32, #tpu.memory_space<vmem>>
    %dma_wait3A_515 = tpu.memref_slice %arg3[%select_n3A_78, %add3A_424] : memref<8x1048576xi32, #tpu.memory_space<hbm>> -> memref<1x16384xi32, #tpu.memory_space<hbm>>
    %dma_wait3A_516 = tpu.memref_squeeze %dma_wait3A_515 : memref<1x16384xi32, #tpu.memory_space<hbm>> -> memref<16384xi32, #tpu.memory_space<hbm>>
    %dma_wait3A_517 = tpu.memref_slice %arg3[%select_n3A_78, %add3A_424] : memref<8x1048576xi32, #tpu.memory_space<hbm>> -> memref<1x16384xi32, #tpu.memory_space<hbm>>
    %dma_wait3A_518 = tpu.memref_squeeze %dma_wait3A_517 : memref<1x16384xi32, #tpu.memory_space<hbm>> -> memref<16384xi32, #tpu.memory_space<hbm>>
    %dma_wait3A_519 = arith.constant 49152 : i32
    %dma_wait3A_520 = tpu.memref_slice %arg4[%dma_wait3A_519] : memref<81920xi32, #tpu.memory_space<vmem>> -> memref<16384xi32, #tpu.memory_space<vmem>>
    tpu.wait_dma2 semaphore(%arg13 : memref<!tpu.dma_semaphore, #tpu.memory_space<semaphore_mem>>) src(%dma_wait3A_520 : memref<16384xi32, #tpu.memory_space<vmem>>) dst(%dma_wait3A_518 : memref<16384xi32, #tpu.memory_space<hbm>>)
    %dma_start3A_521 = arith.constant 49152 : i32
    %dma_start3A_522 = tpu.memref_slice %arg4[%dma_start3A_521] : memref<81920xi32, #tpu.memory_space<vmem>> -> memref<16384xi32, #tpu.memory_space<vmem>>
    %dma_start3A_523 = arith.constant 81920 : i32
    %dma_start3A_524 = tpu.memref_slice %arg2[%select_n3A_62, %select_n3A_78, %dma_start3A_523] : memref<8x8x131072xi32, #tpu.memory_space<hbm>> -> memref<1x1x16384xi32, #tpu.memory_space<hbm>>
    %dma_start3A_525 = tpu.memref_squeeze %dma_start3A_524 : memref<1x1x16384xi32, #tpu.memory_space<hbm>> -> memref<16384xi32, #tpu.memory_space<hbm>>
    %dma_start3A_526 = arith.constant 49152 : i32
    %dma_start3A_527 = tpu.memref_slice %arg4[%dma_start3A_526] : memref<81920xi32, #tpu.memory_space<vmem>> -> memref<16384xi32, #tpu.memory_space<vmem>>
    %dma_start3A_528 = arith.constant 81920 : i32
    %dma_start3A_529 = tpu.memref_slice %arg2[%select_n3A_62, %select_n3A_78, %dma_start3A_528] : memref<8x8x131072xi32, #tpu.memory_space<hbm>> -> memref<1x1x16384xi32, #tpu.memory_space<hbm>>
    %dma_start3A_530 = tpu.memref_squeeze %dma_start3A_529 : memref<1x1x16384xi32, #tpu.memory_space<hbm>> -> memref<16384xi32, #tpu.memory_space<hbm>>
    tpu.enqueue_dma source(%dma_start3A_530 : memref<16384xi32, #tpu.memory_space<hbm>>) target(%dma_start3A_527 : memref<16384xi32, #tpu.memory_space<vmem>>) target_semaphore(%arg8 : memref<!tpu.dma_semaphore, #tpu.memory_space<semaphore_mem>>)
    %dma_wait3A_531 = arith.constant 16384 : i32
    %dma_wait3A_532 = tpu.memref_slice %arg4[%dma_wait3A_531] : memref<81920xi32, #tpu.memory_space<vmem>> -> memref<16384xi32, #tpu.memory_space<vmem>>
    %dma_wait3A_533 = arith.constant 49152 : i32
    %dma_wait3A_534 = tpu.memref_slice %arg2[%select_n3A_62, %select_n3A_78, %dma_wait3A_533] : memref<8x8x131072xi32, #tpu.memory_space<hbm>> -> memref<1x1x16384xi32, #tpu.memory_space<hbm>>
    %dma_wait3A_535 = tpu.memref_squeeze %dma_wait3A_534 : memref<1x1x16384xi32, #tpu.memory_space<hbm>> -> memref<16384xi32, #tpu.memory_space<hbm>>
    %dma_wait3A_536 = arith.constant 16384 : i32
    %dma_wait3A_537 = tpu.memref_slice %arg4[%dma_wait3A_536] : memref<81920xi32, #tpu.memory_space<vmem>> -> memref<16384xi32, #tpu.memory_space<vmem>>
    %dma_wait3A_538 = arith.constant 49152 : i32
    %dma_wait3A_539 = tpu.memref_slice %arg2[%select_n3A_62, %select_n3A_78, %dma_wait3A_538] : memref<8x8x131072xi32, #tpu.memory_space<hbm>> -> memref<1x1x16384xi32, #tpu.memory_space<hbm>>
    %dma_wait3A_540 = tpu.memref_squeeze %dma_wait3A_539 : memref<1x1x16384xi32, #tpu.memory_space<hbm>> -> memref<16384xi32, #tpu.memory_space<hbm>>
    tpu.wait_dma2 semaphore(%arg6 : memref<!tpu.dma_semaphore, #tpu.memory_space<semaphore_mem>>) src(%dma_wait3A_540 : memref<16384xi32, #tpu.memory_space<hbm>>) dst(%dma_wait3A_537 : memref<16384xi32, #tpu.memory_space<vmem>>)
    %mul3A_541 = arith.constant 131072 : i32
    %mul3A_542 = arith.muli %select_n3A_62, %mul3A_541 : i32
    %add3A_543 = arith.constant 49152 : i32
    %add3A_544 = arith.addi %mul3A_542, %add3A_543 : i32
    %dma_start3A_545 = arith.constant 16384 : i32
    %dma_start3A_546 = tpu.memref_slice %arg4[%dma_start3A_545] : memref<81920xi32, #tpu.memory_space<vmem>> -> memref<16384xi32, #tpu.memory_space<vmem>>
    %dma_start3A_547 = tpu.memref_slice %arg3[%select_n3A_78, %add3A_544] : memref<8x1048576xi32, #tpu.memory_space<hbm>> -> memref<1x16384xi32, #tpu.memory_space<hbm>>
    %dma_start3A_548 = tpu.memref_squeeze %dma_start3A_547 : memref<1x16384xi32, #tpu.memory_space<hbm>> -> memref<16384xi32, #tpu.memory_space<hbm>>
    %dma_start3A_549 = tpu.memref_slice %arg3[%select_n3A_78, %add3A_544] : memref<8x1048576xi32, #tpu.memory_space<hbm>> -> memref<1x16384xi32, #tpu.memory_space<hbm>>
    %dma_start3A_550 = tpu.memref_squeeze %dma_start3A_549 : memref<1x16384xi32, #tpu.memory_space<hbm>> -> memref<16384xi32, #tpu.memory_space<hbm>>
    %dma_start3A_551 = arith.constant 16384 : i32
    %dma_start3A_552 = tpu.memref_slice %arg4[%dma_start3A_551] : memref<81920xi32, #tpu.memory_space<vmem>> -> memref<16384xi32, #tpu.memory_space<vmem>>
    tpu.enqueue_dma source(%dma_start3A_552 : memref<16384xi32, #tpu.memory_space<vmem>>) target(%dma_start3A_550 : memref<16384xi32, #tpu.memory_space<hbm>>) target_semaphore(%arg11 : memref<!tpu.dma_semaphore, #tpu.memory_space<semaphore_mem>>)
    %dma_wait3A_553 = arith.constant 65536 : i32
    %dma_wait3A_554 = tpu.memref_slice %arg4[%dma_wait3A_553] : memref<81920xi32, #tpu.memory_space<vmem>> -> memref<16384xi32, #tpu.memory_space<vmem>>
    %dma_wait3A_555 = tpu.memref_slice %arg3[%select_n3A_78, %add3A_464] : memref<8x1048576xi32, #tpu.memory_space<hbm>> -> memref<1x16384xi32, #tpu.memory_space<hbm>>
    %dma_wait3A_556 = tpu.memref_squeeze %dma_wait3A_555 : memref<1x16384xi32, #tpu.memory_space<hbm>> -> memref<16384xi32, #tpu.memory_space<hbm>>
    %dma_wait3A_557 = tpu.memref_slice %arg3[%select_n3A_78, %add3A_464] : memref<8x1048576xi32, #tpu.memory_space<hbm>> -> memref<1x16384xi32, #tpu.memory_space<hbm>>
    %dma_wait3A_558 = tpu.memref_squeeze %dma_wait3A_557 : memref<1x16384xi32, #tpu.memory_space<hbm>> -> memref<16384xi32, #tpu.memory_space<hbm>>
    %dma_wait3A_559 = arith.constant 65536 : i32
    %dma_wait3A_560 = tpu.memref_slice %arg4[%dma_wait3A_559] : memref<81920xi32, #tpu.memory_space<vmem>> -> memref<16384xi32, #tpu.memory_space<vmem>>
    tpu.wait_dma2 semaphore(%arg14 : memref<!tpu.dma_semaphore, #tpu.memory_space<semaphore_mem>>) src(%dma_wait3A_560 : memref<16384xi32, #tpu.memory_space<vmem>>) dst(%dma_wait3A_558 : memref<16384xi32, #tpu.memory_space<hbm>>)
    %dma_start3A_561 = arith.constant 65536 : i32
    %dma_start3A_562 = tpu.memref_slice %arg4[%dma_start3A_561] : memref<81920xi32, #tpu.memory_space<vmem>> -> memref<16384xi32, #tpu.memory_space<vmem>>
    %dma_start3A_563 = arith.constant 98304 : i32
    %dma_start3A_564 = tpu.memref_slice %arg2[%select_n3A_62, %select_n3A_78, %dma_start3A_563] : memref<8x8x131072xi32, #tpu.memory_space<hbm>> -> memref<1x1x16384xi32, #tpu.memory_space<hbm>>
    %dma_start3A_565 = tpu.memref_squeeze %dma_start3A_564 : memref<1x1x16384xi32, #tpu.memory_space<hbm>> -> memref<16384xi32, #tpu.memory_space<hbm>>
    %dma_start3A_566 = arith.constant 65536 : i32
    %dma_start3A_567 = tpu.memref_slice %arg4[%dma_start3A_566] : memref<81920xi32, #tpu.memory_space<vmem>> -> memref<16384xi32, #tpu.memory_space<vmem>>
    %dma_start3A_568 = arith.constant 98304 : i32
    %dma_start3A_569 = tpu.memref_slice %arg2[%select_n3A_62, %select_n3A_78, %dma_start3A_568] : memref<8x8x131072xi32, #tpu.memory_space<hbm>> -> memref<1x1x16384xi32, #tpu.memory_space<hbm>>
    %dma_start3A_570 = tpu.memref_squeeze %dma_start3A_569 : memref<1x1x16384xi32, #tpu.memory_space<hbm>> -> memref<16384xi32, #tpu.memory_space<hbm>>
    tpu.enqueue_dma source(%dma_start3A_570 : memref<16384xi32, #tpu.memory_space<hbm>>) target(%dma_start3A_567 : memref<16384xi32, #tpu.memory_space<vmem>>) target_semaphore(%arg9 : memref<!tpu.dma_semaphore, #tpu.memory_space<semaphore_mem>>)
    %dma_wait3A_571 = arith.constant 32768 : i32
    %dma_wait3A_572 = tpu.memref_slice %arg4[%dma_wait3A_571] : memref<81920xi32, #tpu.memory_space<vmem>> -> memref<16384xi32, #tpu.memory_space<vmem>>
    %dma_wait3A_573 = arith.constant 65536 : i32
    %dma_wait3A_574 = tpu.memref_slice %arg2[%select_n3A_62, %select_n3A_78, %dma_wait3A_573] : memref<8x8x131072xi32, #tpu.memory_space<hbm>> -> memref<1x1x16384xi32, #tpu.memory_space<hbm>>
    %dma_wait3A_575 = tpu.memref_squeeze %dma_wait3A_574 : memref<1x1x16384xi32, #tpu.memory_space<hbm>> -> memref<16384xi32, #tpu.memory_space<hbm>>
    %dma_wait3A_576 = arith.constant 32768 : i32
    %dma_wait3A_577 = tpu.memref_slice %arg4[%dma_wait3A_576] : memref<81920xi32, #tpu.memory_space<vmem>> -> memref<16384xi32, #tpu.memory_space<vmem>>
    %dma_wait3A_578 = arith.constant 65536 : i32
    %dma_wait3A_579 = tpu.memref_slice %arg2[%select_n3A_62, %select_n3A_78, %dma_wait3A_578] : memref<8x8x131072xi32, #tpu.memory_space<hbm>> -> memref<1x1x16384xi32, #tpu.memory_space<hbm>>
    %dma_wait3A_580 = tpu.memref_squeeze %dma_wait3A_579 : memref<1x1x16384xi32, #tpu.memory_space<hbm>> -> memref<16384xi32, #tpu.memory_space<hbm>>
    tpu.wait_dma2 semaphore(%arg7 : memref<!tpu.dma_semaphore, #tpu.memory_space<semaphore_mem>>) src(%dma_wait3A_580 : memref<16384xi32, #tpu.memory_space<hbm>>) dst(%dma_wait3A_577 : memref<16384xi32, #tpu.memory_space<vmem>>)
    %mul3A_581 = arith.constant 131072 : i32
    %mul3A_582 = arith.muli %select_n3A_62, %mul3A_581 : i32
    %add3A_583 = arith.constant 65536 : i32
    %add3A_584 = arith.addi %mul3A_582, %add3A_583 : i32
    %dma_start3A_585 = arith.constant 32768 : i32
    %dma_start3A_586 = tpu.memref_slice %arg4[%dma_start3A_585] : memref<81920xi32, #tpu.memory_space<vmem>> -> memref<16384xi32, #tpu.memory_space<vmem>>
    %dma_start3A_587 = tpu.memref_slice %arg3[%select_n3A_78, %add3A_584] : memref<8x1048576xi32, #tpu.memory_space<hbm>> -> memref<1x16384xi32, #tpu.memory_space<hbm>>
    %dma_start3A_588 = tpu.memref_squeeze %dma_start3A_587 : memref<1x16384xi32, #tpu.memory_space<hbm>> -> memref<16384xi32, #tpu.memory_space<hbm>>
    %dma_start3A_589 = tpu.memref_slice %arg3[%select_n3A_78, %add3A_584] : memref<8x1048576xi32, #tpu.memory_space<hbm>> -> memref<1x16384xi32, #tpu.memory_space<hbm>>
    %dma_start3A_590 = tpu.memref_squeeze %dma_start3A_589 : memref<1x16384xi32, #tpu.memory_space<hbm>> -> memref<16384xi32, #tpu.memory_space<hbm>>
    %dma_start3A_591 = arith.constant 32768 : i32
    %dma_start3A_592 = tpu.memref_slice %arg4[%dma_start3A_591] : memref<81920xi32, #tpu.memory_space<vmem>> -> memref<16384xi32, #tpu.memory_space<vmem>>
    tpu.enqueue_dma source(%dma_start3A_592 : memref<16384xi32, #tpu.memory_space<vmem>>) target(%dma_start3A_590 : memref<16384xi32, #tpu.memory_space<hbm>>) target_semaphore(%arg12 : memref<!tpu.dma_semaphore, #tpu.memory_space<semaphore_mem>>)
    %dma_wait3A_593 = arith.constant 0 : i32
    %dma_wait3A_594 = tpu.memref_slice %arg4[%dma_wait3A_593] : memref<81920xi32, #tpu.memory_space<vmem>> -> memref<16384xi32, #tpu.memory_space<vmem>>
    %dma_wait3A_595 = tpu.memref_slice %arg3[%select_n3A_78, %add3A_504] : memref<8x1048576xi32, #tpu.memory_space<hbm>> -> memref<1x16384xi32, #tpu.memory_space<hbm>>
    %dma_wait3A_596 = tpu.memref_squeeze %dma_wait3A_595 : memref<1x16384xi32, #tpu.memory_space<hbm>> -> memref<16384xi32, #tpu.memory_space<hbm>>
    %dma_wait3A_597 = tpu.memref_slice %arg3[%select_n3A_78, %add3A_504] : memref<8x1048576xi32, #tpu.memory_space<hbm>> -> memref<1x16384xi32, #tpu.memory_space<hbm>>
    %dma_wait3A_598 = tpu.memref_squeeze %dma_wait3A_597 : memref<1x16384xi32, #tpu.memory_space<hbm>> -> memref<16384xi32, #tpu.memory_space<hbm>>
    %dma_wait3A_599 = arith.constant 0 : i32
    %dma_wait3A_600 = tpu.memref_slice %arg4[%dma_wait3A_599] : memref<81920xi32, #tpu.memory_space<vmem>> -> memref<16384xi32, #tpu.memory_space<vmem>>
    tpu.wait_dma2 semaphore(%arg10 : memref<!tpu.dma_semaphore, #tpu.memory_space<semaphore_mem>>) src(%dma_wait3A_600 : memref<16384xi32, #tpu.memory_space<vmem>>) dst(%dma_wait3A_598 : memref<16384xi32, #tpu.memory_space<hbm>>)
    %dma_start3A_601 = arith.constant 0 : i32
    %dma_start3A_602 = tpu.memref_slice %arg4[%dma_start3A_601] : memref<81920xi32, #tpu.memory_space<vmem>> -> memref<16384xi32, #tpu.memory_space<vmem>>
    %dma_start3A_603 = arith.constant 114688 : i32
    %dma_start3A_604 = tpu.memref_slice %arg2[%select_n3A_62, %select_n3A_78, %dma_start3A_603] : memref<8x8x131072xi32, #tpu.memory_space<hbm>> -> memref<1x1x16384xi32, #tpu.memory_space<hbm>>
    %dma_start3A_605 = tpu.memref_squeeze %dma_start3A_604 : memref<1x1x16384xi32, #tpu.memory_space<hbm>> -> memref<16384xi32, #tpu.memory_space<hbm>>
    %dma_start3A_606 = arith.constant 0 : i32
    %dma_start3A_607 = tpu.memref_slice %arg4[%dma_start3A_606] : memref<81920xi32, #tpu.memory_space<vmem>> -> memref<16384xi32, #tpu.memory_space<vmem>>
    %dma_start3A_608 = arith.constant 114688 : i32
    %dma_start3A_609 = tpu.memref_slice %arg2[%select_n3A_62, %select_n3A_78, %dma_start3A_608] : memref<8x8x131072xi32, #tpu.memory_space<hbm>> -> memref<1x1x16384xi32, #tpu.memory_space<hbm>>
    %dma_start3A_610 = tpu.memref_squeeze %dma_start3A_609 : memref<1x1x16384xi32, #tpu.memory_space<hbm>> -> memref<16384xi32, #tpu.memory_space<hbm>>
    tpu.enqueue_dma source(%dma_start3A_610 : memref<16384xi32, #tpu.memory_space<hbm>>) target(%dma_start3A_607 : memref<16384xi32, #tpu.memory_space<vmem>>) target_semaphore(%arg5 : memref<!tpu.dma_semaphore, #tpu.memory_space<semaphore_mem>>)
    %dma_wait3A_611 = arith.constant 49152 : i32
    %dma_wait3A_612 = tpu.memref_slice %arg4[%dma_wait3A_611] : memref<81920xi32, #tpu.memory_space<vmem>> -> memref<16384xi32, #tpu.memory_space<vmem>>
    %dma_wait3A_613 = arith.constant 81920 : i32
    %dma_wait3A_614 = tpu.memref_slice %arg2[%select_n3A_62, %select_n3A_78, %dma_wait3A_613] : memref<8x8x131072xi32, #tpu.memory_space<hbm>> -> memref<1x1x16384xi32, #tpu.memory_space<hbm>>
    %dma_wait3A_615 = tpu.memref_squeeze %dma_wait3A_614 : memref<1x1x16384xi32, #tpu.memory_space<hbm>> -> memref<16384xi32, #tpu.memory_space<hbm>>
    %dma_wait3A_616 = arith.constant 49152 : i32
    %dma_wait3A_617 = tpu.memref_slice %arg4[%dma_wait3A_616] : memref<81920xi32, #tpu.memory_space<vmem>> -> memref<16384xi32, #tpu.memory_space<vmem>>
    %dma_wait3A_618 = arith.constant 81920 : i32
    %dma_wait3A_619 = tpu.memref_slice %arg2[%select_n3A_62, %select_n3A_78, %dma_wait3A_618] : memref<8x8x131072xi32, #tpu.memory_space<hbm>> -> memref<1x1x16384xi32, #tpu.memory_space<hbm>>
    %dma_wait3A_620 = tpu.memref_squeeze %dma_wait3A_619 : memref<1x1x16384xi32, #tpu.memory_space<hbm>> -> memref<16384xi32, #tpu.memory_space<hbm>>
    tpu.wait_dma2 semaphore(%arg8 : memref<!tpu.dma_semaphore, #tpu.memory_space<semaphore_mem>>) src(%dma_wait3A_620 : memref<16384xi32, #tpu.memory_space<hbm>>) dst(%dma_wait3A_617 : memref<16384xi32, #tpu.memory_space<vmem>>)
    %mul3A_621 = arith.constant 131072 : i32
    %mul3A_622 = arith.muli %select_n3A_62, %mul3A_621 : i32
    %add3A_623 = arith.constant 81920 : i32
    %add3A_624 = arith.addi %mul3A_622, %add3A_623 : i32
    %dma_start3A_625 = arith.constant 49152 : i32
    %dma_start3A_626 = tpu.memref_slice %arg4[%dma_start3A_625] : memref<81920xi32, #tpu.memory_space<vmem>> -> memref<16384xi32, #tpu.memory_space<vmem>>
    %dma_start3A_627 = tpu.memref_slice %arg3[%select_n3A_78, %add3A_624] : memref<8x1048576xi32, #tpu.memory_space<hbm>> -> memref<1x16384xi32, #tpu.memory_space<hbm>>
    %dma_start3A_628 = tpu.memref_squeeze %dma_start3A_627 : memref<1x16384xi32, #tpu.memory_space<hbm>> -> memref<16384xi32, #tpu.memory_space<hbm>>
    %dma_start3A_629 = tpu.memref_slice %arg3[%select_n3A_78, %add3A_624] : memref<8x1048576xi32, #tpu.memory_space<hbm>> -> memref<1x16384xi32, #tpu.memory_space<hbm>>
    %dma_start3A_630 = tpu.memref_squeeze %dma_start3A_629 : memref<1x16384xi32, #tpu.memory_space<hbm>> -> memref<16384xi32, #tpu.memory_space<hbm>>
    %dma_start3A_631 = arith.constant 49152 : i32
    %dma_start3A_632 = tpu.memref_slice %arg4[%dma_start3A_631] : memref<81920xi32, #tpu.memory_space<vmem>> -> memref<16384xi32, #tpu.memory_space<vmem>>
    tpu.enqueue_dma source(%dma_start3A_632 : memref<16384xi32, #tpu.memory_space<vmem>>) target(%dma_start3A_630 : memref<16384xi32, #tpu.memory_space<hbm>>) target_semaphore(%arg13 : memref<!tpu.dma_semaphore, #tpu.memory_space<semaphore_mem>>)
    %dma_wait3A_633 = arith.constant 65536 : i32
    %dma_wait3A_634 = tpu.memref_slice %arg4[%dma_wait3A_633] : memref<81920xi32, #tpu.memory_space<vmem>> -> memref<16384xi32, #tpu.memory_space<vmem>>
    %dma_wait3A_635 = arith.constant 98304 : i32
    %dma_wait3A_636 = tpu.memref_slice %arg2[%select_n3A_62, %select_n3A_78, %dma_wait3A_635] : memref<8x8x131072xi32, #tpu.memory_space<hbm>> -> memref<1x1x16384xi32, #tpu.memory_space<hbm>>
    %dma_wait3A_637 = tpu.memref_squeeze %dma_wait3A_636 : memref<1x1x16384xi32, #tpu.memory_space<hbm>> -> memref<16384xi32, #tpu.memory_space<hbm>>
    %dma_wait3A_638 = arith.constant 65536 : i32
    %dma_wait3A_639 = tpu.memref_slice %arg4[%dma_wait3A_638] : memref<81920xi32, #tpu.memory_space<vmem>> -> memref<16384xi32, #tpu.memory_space<vmem>>
    %dma_wait3A_640 = arith.constant 98304 : i32
    %dma_wait3A_641 = tpu.memref_slice %arg2[%select_n3A_62, %select_n3A_78, %dma_wait3A_640] : memref<8x8x131072xi32, #tpu.memory_space<hbm>> -> memref<1x1x16384xi32, #tpu.memory_space<hbm>>
    %dma_wait3A_642 = tpu.memref_squeeze %dma_wait3A_641 : memref<1x1x16384xi32, #tpu.memory_space<hbm>> -> memref<16384xi32, #tpu.memory_space<hbm>>
    tpu.wait_dma2 semaphore(%arg9 : memref<!tpu.dma_semaphore, #tpu.memory_space<semaphore_mem>>) src(%dma_wait3A_642 : memref<16384xi32, #tpu.memory_space<hbm>>) dst(%dma_wait3A_639 : memref<16384xi32, #tpu.memory_space<vmem>>)
    %mul3A_643 = arith.constant 131072 : i32
    %mul3A_644 = arith.muli %select_n3A_62, %mul3A_643 : i32
    %add3A_645 = arith.constant 98304 : i32
    %add3A_646 = arith.addi %mul3A_644, %add3A_645 : i32
    %dma_start3A_647 = arith.constant 65536 : i32
    %dma_start3A_648 = tpu.memref_slice %arg4[%dma_start3A_647] : memref<81920xi32, #tpu.memory_space<vmem>> -> memref<16384xi32, #tpu.memory_space<vmem>>
    %dma_start3A_649 = tpu.memref_slice %arg3[%select_n3A_78, %add3A_646] : memref<8x1048576xi32, #tpu.memory_space<hbm>> -> memref<1x16384xi32, #tpu.memory_space<hbm>>
    %dma_start3A_650 = tpu.memref_squeeze %dma_start3A_649 : memref<1x16384xi32, #tpu.memory_space<hbm>> -> memref<16384xi32, #tpu.memory_space<hbm>>
    %dma_start3A_651 = tpu.memref_slice %arg3[%select_n3A_78, %add3A_646] : memref<8x1048576xi32, #tpu.memory_space<hbm>> -> memref<1x16384xi32, #tpu.memory_space<hbm>>
    %dma_start3A_652 = tpu.memref_squeeze %dma_start3A_651 : memref<1x16384xi32, #tpu.memory_space<hbm>> -> memref<16384xi32, #tpu.memory_space<hbm>>
    %dma_start3A_653 = arith.constant 65536 : i32
    %dma_start3A_654 = tpu.memref_slice %arg4[%dma_start3A_653] : memref<81920xi32, #tpu.memory_space<vmem>> -> memref<16384xi32, #tpu.memory_space<vmem>>
    tpu.enqueue_dma source(%dma_start3A_654 : memref<16384xi32, #tpu.memory_space<vmem>>) target(%dma_start3A_652 : memref<16384xi32, #tpu.memory_space<hbm>>) target_semaphore(%arg14 : memref<!tpu.dma_semaphore, #tpu.memory_space<semaphore_mem>>)
    %dma_wait3A_655 = arith.constant 0 : i32
    %dma_wait3A_656 = tpu.memref_slice %arg4[%dma_wait3A_655] : memref<81920xi32, #tpu.memory_space<vmem>> -> memref<16384xi32, #tpu.memory_space<vmem>>
    %dma_wait3A_657 = arith.constant 114688 : i32
    %dma_wait3A_658 = tpu.memref_slice %arg2[%select_n3A_62, %select_n3A_78, %dma_wait3A_657] : memref<8x8x131072xi32, #tpu.memory_space<hbm>> -> memref<1x1x16384xi32, #tpu.memory_space<hbm>>
    %dma_wait3A_659 = tpu.memref_squeeze %dma_wait3A_658 : memref<1x1x16384xi32, #tpu.memory_space<hbm>> -> memref<16384xi32, #tpu.memory_space<hbm>>
    %dma_wait3A_660 = arith.constant 0 : i32
    %dma_wait3A_661 = tpu.memref_slice %arg4[%dma_wait3A_660] : memref<81920xi32, #tpu.memory_space<vmem>> -> memref<16384xi32, #tpu.memory_space<vmem>>
    %dma_wait3A_662 = arith.constant 114688 : i32
    %dma_wait3A_663 = tpu.memref_slice %arg2[%select_n3A_62, %select_n3A_78, %dma_wait3A_662] : memref<8x8x131072xi32, #tpu.memory_space<hbm>> -> memref<1x1x16384xi32, #tpu.memory_space<hbm>>
    %dma_wait3A_664 = tpu.memref_squeeze %dma_wait3A_663 : memref<1x1x16384xi32, #tpu.memory_space<hbm>> -> memref<16384xi32, #tpu.memory_space<hbm>>
    tpu.wait_dma2 semaphore(%arg5 : memref<!tpu.dma_semaphore, #tpu.memory_space<semaphore_mem>>) src(%dma_wait3A_664 : memref<16384xi32, #tpu.memory_space<hbm>>) dst(%dma_wait3A_661 : memref<16384xi32, #tpu.memory_space<vmem>>)
    %mul3A_665 = arith.constant 131072 : i32
    %mul3A_666 = arith.muli %select_n3A_62, %mul3A_665 : i32
    %add3A_667 = arith.constant 114688 : i32
    %add3A_668 = arith.addi %mul3A_666, %add3A_667 : i32
    %dma_start3A_669 = arith.constant 0 : i32
    %dma_start3A_670 = tpu.memref_slice %arg4[%dma_start3A_669] : memref<81920xi32, #tpu.memory_space<vmem>> -> memref<16384xi32, #tpu.memory_space<vmem>>
    %dma_start3A_671 = tpu.memref_slice %arg3[%select_n3A_78, %add3A_668] : memref<8x1048576xi32, #tpu.memory_space<hbm>> -> memref<1x16384xi32, #tpu.memory_space<hbm>>
    %dma_start3A_672 = tpu.memref_squeeze %dma_start3A_671 : memref<1x16384xi32, #tpu.memory_space<hbm>> -> memref<16384xi32, #tpu.memory_space<hbm>>
    %dma_start3A_673 = tpu.memref_slice %arg3[%select_n3A_78, %add3A_668] : memref<8x1048576xi32, #tpu.memory_space<hbm>> -> memref<1x16384xi32, #tpu.memory_space<hbm>>
    %dma_start3A_674 = tpu.memref_squeeze %dma_start3A_673 : memref<1x16384xi32, #tpu.memory_space<hbm>> -> memref<16384xi32, #tpu.memory_space<hbm>>
    %dma_start3A_675 = arith.constant 0 : i32
    %dma_start3A_676 = tpu.memref_slice %arg4[%dma_start3A_675] : memref<81920xi32, #tpu.memory_space<vmem>> -> memref<16384xi32, #tpu.memory_space<vmem>>
    tpu.enqueue_dma source(%dma_start3A_676 : memref<16384xi32, #tpu.memory_space<vmem>>) target(%dma_start3A_674 : memref<16384xi32, #tpu.memory_space<hbm>>) target_semaphore(%arg10 : memref<!tpu.dma_semaphore, #tpu.memory_space<semaphore_mem>>)
    %dma_wait3A_677 = arith.constant 0 : i32
    %dma_wait3A_678 = tpu.memref_slice %arg4[%dma_wait3A_677] : memref<81920xi32, #tpu.memory_space<vmem>> -> memref<16384xi32, #tpu.memory_space<vmem>>
    %dma_wait3A_679 = tpu.memref_slice %arg3[%select_n3A_78, %add3A_668] : memref<8x1048576xi32, #tpu.memory_space<hbm>> -> memref<1x16384xi32, #tpu.memory_space<hbm>>
    %dma_wait3A_680 = tpu.memref_squeeze %dma_wait3A_679 : memref<1x16384xi32, #tpu.memory_space<hbm>> -> memref<16384xi32, #tpu.memory_space<hbm>>
    %dma_wait3A_681 = tpu.memref_slice %arg3[%select_n3A_78, %add3A_668] : memref<8x1048576xi32, #tpu.memory_space<hbm>> -> memref<1x16384xi32, #tpu.memory_space<hbm>>
    %dma_wait3A_682 = tpu.memref_squeeze %dma_wait3A_681 : memref<1x16384xi32, #tpu.memory_space<hbm>> -> memref<16384xi32, #tpu.memory_space<hbm>>
    %dma_wait3A_683 = arith.constant 0 : i32
    %dma_wait3A_684 = tpu.memref_slice %arg4[%dma_wait3A_683] : memref<81920xi32, #tpu.memory_space<vmem>> -> memref<16384xi32, #tpu.memory_space<vmem>>
    tpu.wait_dma2 semaphore(%arg10 : memref<!tpu.dma_semaphore, #tpu.memory_space<semaphore_mem>>) src(%dma_wait3A_684 : memref<16384xi32, #tpu.memory_space<vmem>>) dst(%dma_wait3A_682 : memref<16384xi32, #tpu.memory_space<hbm>>)
    %dma_wait3A_685 = arith.constant 16384 : i32
    %dma_wait3A_686 = tpu.memref_slice %arg4[%dma_wait3A_685] : memref<81920xi32, #tpu.memory_space<vmem>> -> memref<16384xi32, #tpu.memory_space<vmem>>
    %dma_wait3A_687 = tpu.memref_slice %arg3[%select_n3A_78, %add3A_544] : memref<8x1048576xi32, #tpu.memory_space<hbm>> -> memref<1x16384xi32, #tpu.memory_space<hbm>>
    %dma_wait3A_688 = tpu.memref_squeeze %dma_wait3A_687 : memref<1x16384xi32, #tpu.memory_space<hbm>> -> memref<16384xi32, #tpu.memory_space<hbm>>
    %dma_wait3A_689 = tpu.memref_slice %arg3[%select_n3A_78, %add3A_544] : memref<8x1048576xi32, #tpu.memory_space<hbm>> -> memref<1x16384xi32, #tpu.memory_space<hbm>>
    %dma_wait3A_690 = tpu.memref_squeeze %dma_wait3A_689 : memref<1x16384xi32, #tpu.memory_space<hbm>> -> memref<16384xi32, #tpu.memory_space<hbm>>
    %dma_wait3A_691 = arith.constant 16384 : i32
    %dma_wait3A_692 = tpu.memref_slice %arg4[%dma_wait3A_691] : memref<81920xi32, #tpu.memory_space<vmem>> -> memref<16384xi32, #tpu.memory_space<vmem>>
    tpu.wait_dma2 semaphore(%arg11 : memref<!tpu.dma_semaphore, #tpu.memory_space<semaphore_mem>>) src(%dma_wait3A_692 : memref<16384xi32, #tpu.memory_space<vmem>>) dst(%dma_wait3A_690 : memref<16384xi32, #tpu.memory_space<hbm>>)
    %dma_wait3A_693 = arith.constant 32768 : i32
    %dma_wait3A_694 = tpu.memref_slice %arg4[%dma_wait3A_693] : memref<81920xi32, #tpu.memory_space<vmem>> -> memref<16384xi32, #tpu.memory_space<vmem>>
    %dma_wait3A_695 = tpu.memref_slice %arg3[%select_n3A_78, %add3A_584] : memref<8x1048576xi32, #tpu.memory_space<hbm>> -> memref<1x16384xi32, #tpu.memory_space<hbm>>
    %dma_wait3A_696 = tpu.memref_squeeze %dma_wait3A_695 : memref<1x16384xi32, #tpu.memory_space<hbm>> -> memref<16384xi32, #tpu.memory_space<hbm>>
    %dma_wait3A_697 = tpu.memref_slice %arg3[%select_n3A_78, %add3A_584] : memref<8x1048576xi32, #tpu.memory_space<hbm>> -> memref<1x16384xi32, #tpu.memory_space<hbm>>
    %dma_wait3A_698 = tpu.memref_squeeze %dma_wait3A_697 : memref<1x16384xi32, #tpu.memory_space<hbm>> -> memref<16384xi32, #tpu.memory_space<hbm>>
    %dma_wait3A_699 = arith.constant 32768 : i32
    %dma_wait3A_700 = tpu.memref_slice %arg4[%dma_wait3A_699] : memref<81920xi32, #tpu.memory_space<vmem>> -> memref<16384xi32, #tpu.memory_space<vmem>>
    tpu.wait_dma2 semaphore(%arg12 : memref<!tpu.dma_semaphore, #tpu.memory_space<semaphore_mem>>) src(%dma_wait3A_700 : memref<16384xi32, #tpu.memory_space<vmem>>) dst(%dma_wait3A_698 : memref<16384xi32, #tpu.memory_space<hbm>>)
    %dma_wait3A_701 = arith.constant 49152 : i32
    %dma_wait3A_702 = tpu.memref_slice %arg4[%dma_wait3A_701] : memref<81920xi32, #tpu.memory_space<vmem>> -> memref<16384xi32, #tpu.memory_space<vmem>>
    %dma_wait3A_703 = tpu.memref_slice %arg3[%select_n3A_78, %add3A_624] : memref<8x1048576xi32, #tpu.memory_space<hbm>> -> memref<1x16384xi32, #tpu.memory_space<hbm>>
    %dma_wait3A_704 = tpu.memref_squeeze %dma_wait3A_703 : memref<1x16384xi32, #tpu.memory_space<hbm>> -> memref<16384xi32, #tpu.memory_space<hbm>>
    %dma_wait3A_705 = tpu.memref_slice %arg3[%select_n3A_78, %add3A_624] : memref<8x1048576xi32, #tpu.memory_space<hbm>> -> memref<1x16384xi32, #tpu.memory_space<hbm>>
    %dma_wait3A_706 = tpu.memref_squeeze %dma_wait3A_705 : memref<1x16384xi32, #tpu.memory_space<hbm>> -> memref<16384xi32, #tpu.memory_space<hbm>>
    %dma_wait3A_707 = arith.constant 49152 : i32
    %dma_wait3A_708 = tpu.memref_slice %arg4[%dma_wait3A_707] : memref<81920xi32, #tpu.memory_space<vmem>> -> memref<16384xi32, #tpu.memory_space<vmem>>
    tpu.wait_dma2 semaphore(%arg13 : memref<!tpu.dma_semaphore, #tpu.memory_space<semaphore_mem>>) src(%dma_wait3A_708 : memref<16384xi32, #tpu.memory_space<vmem>>) dst(%dma_wait3A_706 : memref<16384xi32, #tpu.memory_space<hbm>>)
    %dma_wait3A_709 = arith.constant 65536 : i32
    %dma_wait3A_710 = tpu.memref_slice %arg4[%dma_wait3A_709] : memref<81920xi32, #tpu.memory_space<vmem>> -> memref<16384xi32, #tpu.memory_space<vmem>>
    %dma_wait3A_711 = tpu.memref_slice %arg3[%select_n3A_78, %add3A_646] : memref<8x1048576xi32, #tpu.memory_space<hbm>> -> memref<1x16384xi32, #tpu.memory_space<hbm>>
    %dma_wait3A_712 = tpu.memref_squeeze %dma_wait3A_711 : memref<1x16384xi32, #tpu.memory_space<hbm>> -> memref<16384xi32, #tpu.memory_space<hbm>>
    %dma_wait3A_713 = tpu.memref_slice %arg3[%select_n3A_78, %add3A_646] : memref<8x1048576xi32, #tpu.memory_space<hbm>> -> memref<1x16384xi32, #tpu.memory_space<hbm>>
    %dma_wait3A_714 = tpu.memref_squeeze %dma_wait3A_713 : memref<1x16384xi32, #tpu.memory_space<hbm>> -> memref<16384xi32, #tpu.memory_space<hbm>>
    %dma_wait3A_715 = arith.constant 65536 : i32
    %dma_wait3A_716 = tpu.memref_slice %arg4[%dma_wait3A_715] : memref<81920xi32, #tpu.memory_space<vmem>> -> memref<16384xi32, #tpu.memory_space<vmem>>
    tpu.wait_dma2 semaphore(%arg14 : memref<!tpu.dma_semaphore, #tpu.memory_space<semaphore_mem>>) src(%dma_wait3A_716 : memref<16384xi32, #tpu.memory_space<vmem>>) dst(%dma_wait3A_714 : memref<16384xi32, #tpu.memory_space<hbm>>)
    return
  }
}

module attributes {stable_mosaic.version = 14 : i64} {
  func.func @body(%arg0: i32, %arg1: i32, %arg2: memref<1x8x65536xf32, #tpu.memory_space<vmem>>, %arg3: memref<8x65536xf32, #tpu.memory_space<vmem>>, %arg4: memref<8x65536xi32, #tpu.memory_space<vmem>>, %arg5: memref<8x65664xi32, #tpu.memory_space<vmem>>) attributes {dimension_semantics = [#tpu.dimension_semantics<arbitrary>, #tpu.dimension_semantics<arbitrary>], iteration_bounds = array<i64: 8, 2>, scalar_prefetch = 0 : i64, scratch_operands = 0 : i64, tpu.core_type = #tpu.core_type<tc>, window_params = [{transform_indices = @transform_0, window_bounds = array<i64: 1, 8, 65536>}, {transform_indices = @transform_1, window_bounds = array<i64: 8, 65536>}, {transform_indices = @transform_2, window_bounds = array<i64: 8, 65536>}, {transform_indices = @transform_3, window_bounds = array<i64: 8, 65664>}]} {
    %mul3A = arith.constant 2 : i32
    %mul3A_0 = arith.muli %arg0, %mul3A : i32
    %add3A = arith.addi %mul3A_0, %arg1 : i32
    %get3A = arith.constant 0 : index
    %get3A_1 = arith.constant 0 : index
    %get3A_2 = arith.constant 0 : index
    %get3A_3 = vector.load %arg2[%get3A, %get3A_1, %get3A_2] : memref<1x8x65536xf32, #tpu.memory_space<vmem>>, vector<1x8x65536xf32>
    %get3A_4 = vector.shape_cast %get3A_3 : vector<1x8x65536xf32> to vector<8x65536xf32>
    %swap3A = arith.constant 0 : index
    %swap3A_5 = arith.constant 0 : index
    %swap3A_6 = vector.load %arg3[%swap3A, %swap3A_5] : memref<8x65536xf32, #tpu.memory_space<vmem>>, vector<8x65536xf32>
    tpu.vector_store %arg3[%swap3A, %swap3A_5], %get3A_4 {strides = array<i32>} : memref<8x65536xf32, #tpu.memory_space<vmem>>, vector<8x65536xf32>,
    %broadcast_in_dim3A = arith.constant 1 : i32
    %broadcast_in_dim3A_7 = vector.broadcast %broadcast_in_dim3A : i32 to vector<8x65536xi32>
    %swap3A_8 = arith.constant 0 : index
    %swap3A_9 = arith.constant 0 : index
    %swap3A_10 = vector.load %arg4[%swap3A_8, %swap3A_9] : memref<8x65536xi32, #tpu.memory_space<vmem>>, vector<8x65536xi32>
    tpu.vector_store %arg4[%swap3A_8, %swap3A_9], %broadcast_in_dim3A_7 {strides = array<i32>} : memref<8x65536xi32, #tpu.memory_space<vmem>>, vector<8x65536xi32>,
    %mul3A_11 = arith.constant 65664 : i32
    %mul3A_12 = arith.muli %add3A, %mul3A_11 : i32
    %iota3A = tpu.iota {dimensions = array<i32: 1>} : vector<8x65664xi32>
    %add3A_13 = vector.broadcast %mul3A_12 : i32 to vector<8x65664xi32>
    %add3A_14 = arith.addi %add3A_13, %iota3A : vector<8x65664xi32>
    %swap3A_15 = arith.constant 0 : index
    %swap3A_16 = arith.constant 0 : index
    %swap3A_17 = vector.load %arg5[%swap3A_15, %swap3A_16] : memref<8x65664xi32, #tpu.memory_space<vmem>>, vector<8x65664xi32>
    tpu.vector_store %arg5[%swap3A_15, %swap3A_16], %add3A_14 {strides = array<i32>} : memref<8x65664xi32, #tpu.memory_space<vmem>>, vector<8x65664xi32>,
    return
  }
  func.func @transform_0(%arg0: i32, %arg1: i32) -> (i32, i32, i32) {
    %c0_i32 = arith.constant 0 : i32
    %c0_i32_0 = arith.constant 0 : i32
    return %arg0, %c0_i32, %arg1 : i32, i32, i32
  }
  func.func @transform_1(%arg0: i32, %arg1: i32) -> (i32, i32) {
    %mul3A = arith.constant 2 : i32
    %mul3A_0 = arith.muli %arg0, %mul3A : i32
    %add3A = arith.addi %mul3A_0, %arg1 : i32
    %c0_i32 = arith.constant 0 : i32
    %c0_i32_1 = arith.constant 0 : i32
    return %c0_i32, %add3A : i32, i32
  }
  func.func @transform_2(%arg0: i32, %arg1: i32) -> (i32, i32) {
    %mul3A = arith.constant 2 : i32
    %mul3A_0 = arith.muli %arg0, %mul3A : i32
    %add3A = arith.addi %mul3A_0, %arg1 : i32
    %c0_i32 = arith.constant 0 : i32
    %c0_i32_1 = arith.constant 0 : i32
    return %c0_i32, %add3A : i32, i32
  }
  func.func @transform_3(%arg0: i32, %arg1: i32) -> (i32, i32) {
    %mul3A = arith.constant 2 : i32
    %mul3A_0 = arith.muli %arg0, %mul3A : i32
    %add3A = arith.addi %mul3A_0, %arg1 : i32
    %c0_i32 = arith.constant 0 : i32
    %c0_i32_1 = arith.constant 0 : i32
    return %c0_i32, %add3A : i32, i32
  }
}

</mosaic_0001>

<sc_bundles>
// kernel: kernel.4.cloned.1.call-start
scs
__scs_entry_jumppad:
0x0: {  	(pc) =	sbr.rel $0x88, $3  }
0x1: {  	(tag) =	ssettag $0x0;
	lr =	simm.s32 $0x1  }
0x2: {  	[smem:$0x3F9F] =	sst lr;
	_ =	strace $0xD0000000  }
0x3: {  	_ = 	snop  }
0x4: {  	_ = 	snop  }
0x5: {  	_ = 	snop  }
0x6: {  	_ = 	snop  }
0x7: {  	_ = 	snop  }
__scs_overlays_trampoline_lowered:
0x8: {  	[smem:$0x3FAE] =	sst s0  }
0x9: {  	[smem:$0x3FAF] =	sst s1  }
0xa: {  	[smem:$0x3FB0] =	sst s2  }
0xb: {  	[smem:$0x3FB1] =	sst s3  }
0xc: {  	[smem:$0x3FB2] =	sst s4  }
0xd: {  	[smem:$0x3FB3] =	sst s5  }
0xe: {  	[smem:$0x3FB4] =	sst s6  }
0xf: {  	[smem:$0x3FB5] =	sst s7  }
0x10: {  	[smem:$0x3FB6] =	sst s8  }
0x11: {  	[smem:$0x3FB7] =	sst s9;
	s0 =	simm.s32 @!p0 $0x0  }
0x12: {  	s1 =	sld [smem:$0x3F9D];
	s0 =	simm.s32 @p0 $0x1  }
0x13: {  	[smem:$0x3FB8] =	sst s0;
	s0 =	simm.s32 @!p1 $0x0  }
0x14: {  	s2 =	sld [smem:$0x3F9C];
	s0 =	simm.s32 @p1 $0x1  }
0x15: {  	[smem:$0x3FB9] =	sst s0;
	s0 =	simm.s32 @!p2 $0x0  }
0x16: {  	s3 =	sld [smem:$0x3FDB];
	s0 =	simm.s32 @p2 $0x1  }
0x17: {  	s4 =	simm.s32 $0x1BF5;
	[smem:$0x3FBB] =	sst s0  }
0x18: {  	s0 =	sld [smem:$0x3F9E];
	_ =	swait.ge [sflag:s4], $0x0  }
0x19: {  	s7 =	sld [smem:$0x3F9F]  }
0x1a: {  	s8 =	sadd.s32 $0xFFFFE003, lr  }
0x1b: {  	s9 =	sadd.s32 $0xFFFFFEF7, lr;
	s5 =	simm.s32 $0xFFFFFFFF;
	p2 =	slt.u32 s8, $0xFFFFF086  }
0x1c: {  	p1 =	slt.u32 s9, $0xF7A;
	s5 =	simm.s32 @!p2 $0x0  }
0x1d: {  	s5 =	simm.s32 @p1 $0x1;
	p0 =	seq.s32 s7, s2  }
0x1e: {  	s7 =	smul.u32 @!p0 $0xF7A, s2;
	p2 =	seq.s32 @!p0 s5, $0x0  }
0x1f: {  	s9 =	smul.u32 $0xF7A, s1;
	s8 =	simm.s32 @!p0 $0x1BF5;
	p2 =	por !p2, p0  }
0x20: {  	[sflag:s8] =	ssyncset.s32 @!p0 $0xFFFFF086;
	s6 =	sadd.s32 @!p0 s3, s7;
	s7 =	simm.s32 @!p0 $0x108  }
0x21: {  	s3 =	sadd.s32 s3, s9;
	s6 =	sadd.s32 @!p0 $0x88, s6;
	s7 =	simm.s32 @p2 $0x1082  }
0x22: {  	[simem:s7], [sflag:s8] =	dma.local @!p0 [hbm:s6], $0xF7A  }
0x23: {  	s9 =	sor.u32 $0xD0000000, s2;
	s6 =	simm.s32 $0x108;
	_ =	swait.ge @!p0 [sflag:s8], $0x0  }
0x24: {  	s3 =	sadd.s32 $0x88, s3;
	s6 =	simm.s32 @!p1 $0x1082;
	[sflag:s4] =	ssyncset.s32 $0xFFFFF086  }
0x25: {  	[simem:s6], [sflag:s4] =	dma.local [hbm:s3], $0xF7A  }
0x26: {  	[smem:$0x3F9F] =	sst s1;
	(tag) =	ssettag s2;
	_ =	strace s9  }
0x27: {  	s1 =	sld [smem:$0x3FAF]  }
0x28: {  	s2 =	sld [smem:$0x3FB0]  }
0x29: {  	s4 =	sld [smem:$0x3FB2]  }
0x2a: {  	p0 =	seq.s32 s5, $0x0;
	s5 =	sld [smem:$0x3FB3]  }
0x2b: {  	s6 =	sld [smem:$0x3FB4]  }
0x2c: {  	s7 =	sld [smem:$0x3FB5]  }
0x2d: {  	s3 =	simm.s32 $0x108;
	s8 =	sld [smem:$0x3FB6]  }
0x2e: {  	s3 =	simm.s32 @!p0 $0x1082;
	s9 =	sld [smem:$0x3FB7]  }
0x2f: {  	lr =	sadd.s32 s0, s3;
	s0 =	sld [smem:$0x3FAE]  }
0x30: {  	s3 =	sld [smem:$0x3FB1]  }
0x31: {  	[smem:$0x3FBA] =	sst s10  }
0x32: {  	s10 =	sld [smem:$0x3FB8];
	_ =	sdelay $0x3  }
0x33: {  	p0 =	seq.s32 s10, $0x1;
	s10 =	sld [smem:$0x3FBA];
	_ =	sdelay $0x3  }
0x34: {  	[smem:$0x3FBA] =	sst s10  }
0x35: {  	s10 =	sld [smem:$0x3FB9];
	_ =	sdelay $0x3  }
0x36: {  	p1 =	seq.s32 s10, $0x1;
	s10 =	sld [smem:$0x3FBA];
	_ =	sdelay $0x3  }
0x37: {  	[smem:$0x3FBA] =	sst s10  }
0x38: {  	s10 =	sld [smem:$0x3FBB]  }
0x39: {  	_ = 	snop;
	(pc) =	sbr.ind lr, $3  }
0x3a: {  	_ = 	snop  }
0x3b: {  	_ = 	snop  }
0x3c: {  	p2 =	seq.s32 s10, $0x1;
	s10 =	sld [smem:$0x3FBA]  }
0x3d: {  	_ =	shalt  }
0x3e: {  	_ =	shalt  }
0x3f: {  	_ =	shalt  }
0x40: {  	_ =	shalt  }
0x41: {  	_ =	shalt  }
0x42: {  	_ =	shalt  }
0x43: {  	_ =	shalt  }
0x44: {  	_ =	shalt  }
0x45: {  	_ =	shalt  }
0x46: {  	_ =	shalt  }
0x47: {  	_ =	shalt  }
0x48: {  	_ =	shalt  }
0x49: {  	_ =	shalt  }
0x4a: {  	_ =	shalt  }
0x4b: {  	_ =	shalt  }
0x4c: {  	_ =	shalt  }
0x4d: {  	_ =	shalt  }
0x4e: {  	_ =	shalt  }
0x4f: {  	_ =	shalt  }
0x50: {  	_ =	shalt  }
0x51: {  	_ =	shalt  }
0x52: {  	_ =	shalt  }
0x53: {  	_ =	shalt  }
0x54: {  	_ =	shalt  }
0x55: {  	_ =	shalt  }
0x56: {  	_ =	shalt  }
0x57: {  	_ =	shalt  }
0x58: {  	_ =	shalt  }
0x59: {  	_ =	shalt  }
0x5a: {  	_ =	shalt  }
0x5b: {  	_ =	shalt  }
0x5c: {  	_ =	shalt  }
0x5d: {  	_ =	shalt  }
0x5e: {  	_ =	shalt  }
0x5f: {  	_ =	shalt  }
0x60: {  	_ =	shalt  }
0x61: {  	_ =	shalt  }
0x62: {  	_ =	shalt  }
0x63: {  	_ =	shalt  }
0x64: {  	_ =	shalt  }
0x65: {  	_ =	shalt  }
0x66: {  	_ =	shalt  }
0x67: {  	_ =	shalt  }
0x68: {  	_ =	shalt  }
0x69: {  	_ =	shalt  }
0x6a: {  	_ =	shalt  }
0x6b: {  	_ =	shalt  }
0x6c: {  	_ =	shalt  }
0x6d: {  	_ =	shalt  }
0x6e: {  	_ =	shalt  }
0x6f: {  	_ =	shalt  }
0x70: {  	_ =	shalt  }
0x71: {  	_ =	shalt  }
0x72: {  	_ =	shalt  }
0x73: {  	_ =	shalt  }
0x74: {  	_ =	shalt  }
0x75: {  	_ =	shalt  }
0x76: {  	_ =	shalt  }
0x77: {  	_ =	shalt  }
0x78: {  	_ =	shalt  }
0x79: {  	_ =	shalt  }
0x7a: {  	_ =	shalt  }
0x7b: {  	_ =	shalt  }
0x7c: {  	_ =	shalt  }
0x7d: {  	_ =	shalt  }
0x7e: {  	_ =	shalt  }
0x7f: {  	_ =	shalt  }
0x80: {  	_ =	shalt  }
0x81: {  	_ =	shalt  }
0x82: {  	_ =	shalt  }
0x83: {  	_ =	shalt  }
0x84: {  	_ =	shalt  }
0x85: {  	_ =	shalt  }
0x86: {  	_ =	shalt  }
0x87: {  	_ =	shalt  }
.Lfunc_end0:
.L_simem_size_0:
called_computation_lowered:
.L_overlay_start_0:
0x88: {  	s2 =	sld [smem:$0x3FD9]  }
0x89: {  	s3 =	sld [smem:$0x3FFE];
	_ =	sdelay $0x1  }
0x8a: {  	s1 =	srdreg.scid  }
0x8b: {  	s0 =	sand.u32 $0x1, s1  }
0x8c: {  	s15 =	sshll.u32 s0, $0xA;
	s2 =	sadd.s32 s3, s2  }
0x8d: {  	s2 =	sadd.s32 s2, s15  }
0x8e: {  	[smem:$0x3FC6] =	sst s2  }
0x8f: {  	_ = 	snop  }
0x90: {  	s2 =	sld [smem:$0x3FD0];
	_ =	sdelay $0x2  }
0x91: {  	s4 =	simm.s32 $0xA;
	s5 =	simm.s32 $0x10;
	s16 =	sld [smem:$0x3FC9]  }
0x92: {  	[smem:s5], [sflag:s4] =	dma.local [hbm:s2], $0x1  }
0x93: {  	_ =	swait.eq [sflag:s4], $0x1  }
0x94: {  	[sflag:s4] =	ssyncset.done $0x0  }
0x95: {  	[sflag:s4] =	ssyncadd.s32 $0xFFFFFFFF  }
0x96: {  	s17 =	sld [smem:$0x10];
	(tm) =	ssettm $0x1  }
0x97: {  	s18 =	sld [smem:$0x3FFB];
	_ =	sdelay $0x3  }
0x98: {  	_ =	strace s18  }
0x99: {  	s4 =	sld [smem:$0x3FFC];
	_ =	sdelay $0x3  }
0x9a: {  	_ =	strace s4  }
0x9b: {  	s4 =	sld [smem:$0x3FFD];
	_ =	sdelay $0x3  }
0x9c: {  	_ =	strace s4  }
0x9d: {  	_ =	strace $0x8FFFFFFF  }
0x9e: {  	s19 =	sld [smem:$0x3FDB];
	_ =	sdelay $0x1  }
0x9f: {  	s20 =	simm.s32 $_scs_section_size  }
0xa0: {  	s6 =	simm.s32 $_size__tile_overlayer_lowered;
	s7 =	simm.s32 $_tile_overlayer_lowered  }
0xa1: {  	s23 =	simm.s32 $0x1BFF;
	s22 =	sshll.u32 s7, $0x1;
	s4 =	sadd.s32 s20, s19  }
0xa2: {  	s8 =	simm.s32 $0x0;
	s21 =	sshll.u32 s6, $0x1;
	s6 =	sadd.s32 s22, s4  }
0xa3: {  	[timem:s8], [sflag:s23] =	dma.local [hbm:s6], s21  }
0xa4: {  	_ =	swait.ge [sflag:s23], s21  }
0xa5: {  	s5 =	ssub.s32 $0x0, s21;
	[sflag:s23] =	ssyncset.done $0x0  }
0xa6: {  	[sflag:s23] =	ssyncadd.s32 s5;
	_ =	sdelay $0x1  }
0xa7: {  	s24 =	simm.s32 $0x1B8B  }
0xa8: {  	_ =	swait.ge [sflag:s24], $0x1  }
0xa9: {  	[sflag:s24] =	ssyncset.done $0x0  }
0xaa: {  	s25 =	simm.s32 $0x1B8E;
	[sflag:s24] =	ssyncadd.s32 $0xFFFFFFFF  }
0xab: {  	s26 =	simm.s32 $execute0_lowered;
	[smem:$0x3FD2] =	sst s25  }
0xac: {  	s5 =	sshll.u32 s26, $0x1;
	_ =	strace $0x80000046;
	[dreg:$0x1] =	wrdreg $0xFFFFFFFF  }
0xad: {  	s28 =	simm.s32 $_size_execute0_lowered;
	s4 =	sadd.s32 s4, s5;
	[dreg:$0x0] =	wrdreg $0x0  }
0xae: {  	s5 =	sshll.u32 s28, $0x1;
	[dreg:$0x2] =	wrdreg s4  }
0xaf: {  	[dreg:$0x3] =	wrdreg s5  }
0xb0: {  	[dreg:$0x4] =	wrdreg $0xC0  }
0xb1: {  	_ =	task [dreg:s8], $0x5FFFF  }
0xb2: {  	[dreg:$0x1] =	wrdreg $0xFFFFFFFF  }
0xb3: {  	[dreg:$0x0] =	wrdreg $0x60  }
0xb4: {  	[dreg:$0x2] =	wrdreg s16  }
0xb5: {  	[dreg:$0x3] =	wrdreg s17  }
0xb6: {  	[dreg:$0x4] =	wrdreg $0x9  }
0xb7: {  	_ =	task.clear_ibuf [dreg:s8], $0x5FFFF;
	_ =	strace $0x90000046  }
0xb8: {  	s29 =	simm.s32 $0x9;
	_ =	strace $0x80000048  }
0xb9: {  	_ =	swait.ge [sflag:s29], $0x1  }
0xba: {  	[sflag:s29] =	ssyncadd.s32 $0xFFFFFFFF  }
0xbb: {  	_ =	strace $0x90000048  }
0xbc: {  	_ =	sfence  }
0xbd: {  	s30 =	sld [smem:$0x0];
	_ =	sdelay $0x2  }
0xbe: {  	s31 =	sshll.u32 s1, $0xD;
	s1 =	sshrl.u32 s1, $0x2  }
0xbf: {  	s3 =	sand.u32 $0x4000, s31;
	s1 =	sadd.s32 s1, s30  }
0xc0: {  	s0 =	sor.u32 s3, s0;
	s1 =	sshll.u32 s1, $0x11  }
0xc1: {  	s0 =	sor.u32 s1, s0  }
0xc2: {  	s0 =	sadd.s32 $0x8F2B, s0  }
0xc3: {  	[sflag:s0] =	ssyncadd.remote.s32 $0x1  }
0xc4: {  	_ =	sfence.sel $0xFFFF  }
0xc5: {  	[dreg:$0x0] =	wrdreg $0xFFFFFFFF;
	(pc) =	sbr.abs _section_cstart, $3  }
0xc6: {  	[dreg:$0x1] =	wrdreg $0xFFFFFFFF  }
0xc7: {  	_ =	task.clear_ibuf [dreg:s8], $0x2FFFF;
	_ =	strace $0x9FFFFFFF  }
0xc8: {  	(tm) =	ssettm $0x7FFFFFFF  }
0xc9: {  	_ =	shalt  }
tec
execute0_lowered:
.L_overlay_start_1:
0x0: {  	(tag) =	ssettag $0x1  }
0x1: {  	s3 =	rddreg [dreg:$0x0]  }
0x2: {  	s0 =	rddreg [dreg:$0x1]  }
0x3: {  	s1 =	srdreg.scid;
	s5 =	stileid.u32;
	s29 =	simm.s32 $0x4000  }
0x4: {  	s31 =	simm.s32 $0x2;
	s1 =	sand.u32 $0x1, s1;
	s2 =	sshll.u32 s5, $0x6  }
0x5: {  	s5 =	sshll.u32 s5, $0x10;
	s4 =	sshll.u32 s1, $0x5;
	s6 =	sand.u32 $0x40, s2  }
0x6: {  	s2 =	simm.s32 $0x0;
	s5 =	sand.u32 $0xE0000, s5;
	s4 =	sor.u32 s4, s6  }
0x7: {  	s28 =	simm.s32 $0x3;
	[smem:$0x7FF] =	sst s2;
	s4 =	sor.u32 s5, s4  }
0x8: {  	p0 =	por $0x0, $0x0;
	_ =	strace $0x80000047;
	s5 =	sadd.s32 s3, s4  }
0x9: {  	s26 =	sor.u32 $0x4000, s4;
	s11 =	sadd.s32 s0, s4;
	[dreg:$0x3] =	wrdreg s5  }
0xa: {  	s7 =	sor.u32 $0x8000, s4;
	s9 =	sadd.s32 s3, s26;
	[dreg:$0x6] =	wrdreg s11  }
0xb: {  	s8 =	sor.u32 $0xC000, s4;
	s10 =	sadd.s32 s3, s7;
	[dreg:$0x4] =	wrdreg s9  }
0xc: {  	s1 =	ssub.s32 $0x2, s1;
	s12 =	sadd.s32 s3, s8;
	[dreg:$0x5] =	wrdreg s10  }
0xd: {  	s14 =	sor.u32 $0x10000, s4;
	s13 =	sadd.s32 s0, s26;
	[dreg:$0x7] =	wrdreg s12  }
0xe: {  	s6 =	simm.s32 $0x400;
	s15 =	sadd.s32 s3, s14;
	[dreg:$0x8] =	wrdreg s13  }
0xf: {  	s17 =	sor.u32 $0x14000, s4;
	s16 =	sadd.s32 s0, s7;
	[dreg:$0x9] =	wrdreg s15  }
0x10: {  	s20 =	sor.u32 $0x18000, s4;
	s18 =	sadd.s32 s3, s17;
	[dreg:$0xa] =	wrdreg s16  }
0x11: {  	s23 =	sor.u32 $0x1C000, s4;
	s19 =	sadd.s32 s0, s8;
	[dreg:$0xb] =	wrdreg s18  }
0x12: {  	s21 =	sadd.s32 s3, s20;
	s22 =	sadd.s32 s0, s14;
	[dreg:$0xc] =	wrdreg s19  }
0x13: {  	s24 =	sadd.s32 s3, s23;
	s25 =	sadd.s32 s0, s17;
	[dreg:$0xd] =	wrdreg s21  }
0x14: {  	s26 =	sor.u32 $0x10, s4;
	s11 =	sor.u32 $0x4010, s4;
	[dreg:$0xe] =	wrdreg s22  }
0x15: {  	s14 =	sor.u32 $0x8010, s4;
	s17 =	sor.u32 $0xC010, s4;
	[dreg:$0xf] =	wrdreg s24  }
0x16: {  	s7 =	simm.s32 $0xA;
	[dreg:$0x10] =	wrdreg s25;
	s9 =	sadd.s32 s3, s26  }
0x17: {  	s10 =	sadd.s32 s0, s20;
	s12 =	sadd.s32 s3, s11;
	s13 =	sadd.s32 s0, s23  }
0x18: {  	s15 =	sadd.s32 s3, s14;
	s16 =	sadd.s32 s0, s26;
	s30 =	sadd.s32 s3, s17  }
0x19: {  	s26 =	sadd.s32 s0, s11;
	s18 =	sor.u32 $0x10010, s4;
	[dreg:$0x11] =	wrdreg s9  }
0x1a: {  	s21 =	sor.u32 $0x14010, s4;
	s22 =	sadd.s32 s0, s14;
	[dreg:$0x12] =	wrdreg s10  }
0x1b: {  	s19 =	sadd.s32 s0, s17;
	s23 =	sor.u32 $0x18010, s4;
	[dreg:$0x13] =	wrdreg s12  }
0x1c: {  	s4 =	sor.u32 $0x1C010, s4;
	s11 =	simm.s32 $0x6;
	[dreg:$0x14] =	wrdreg s13  }
0x1d: {  	s14 =	simm.s32 $0x7;
	s9 =	sshrl.u32 s1, $0x1;
	[dreg:$0x15] =	wrdreg s15  }
0x1e: {  	[dreg:$0x16] =	wrdreg s16;
	s25 =	sadd.s32 s3, s18;
	s1 =	ssub.s32 s1, s9  }
0x1f: {  	s20 =	sadd.s32 s3, s21;
	s17 =	sadd.s32 s3, s23;
	s24 =	smax.u32 s1, $0x1  }
0x20: {  	s15 =	sadd.s32 s0, s18;
	s12 =	sadd.s32 s3, s4;
	p1 =	sne.s32 s24, $0x1  }
.Ltmp0:
0x21: {  	s8 =	sadd.s32 s0, s21;
	s5 =	sadd.s32 s0, s23;
	(pc) =	sbr.rel @!p1 .LBB2_3-.Ltmp0, $4  }
0x22: {  	s3 =	sadd.s32 s0, s4;
	s4 =	simm.s32 $0x80;
	s21 =	simm.s32 $0x8000  }
0x23: {  	s18 =	simm.s32 $0xC000;
	s16 =	simm.s32 $0x10000;
	s23 =	simm.s32 $0x5  }
0x24: {  	s13 =	simm.s32 $0x8;
	s10 =	simm.s32 $0x9;
	s9 =	simm.s32 $0x1  }
0x25: {  	s1 =	rddreg [dreg:$0x3];
	s0 =	sadd.s32 $0xFFFFFFFF, s24;
	s24 =	simm.s32 $0x4  }
0x26: {  	[dreg:$0x17] =	wrdreg s0  }
0x27: {  	[tilespmem:s2], [sflag:$0x1] =	stream.strided.gather [hbm4b:s1+s4], $0x4000, s6, s4, $0x38;
	[tilespmem:$0x14000] =	vst v63  }
0x28: {  	s0 =	rddreg [dreg:$0x4]  }
0x29: {  	[tilespmem:s29], [sflag:$0x2] =	stream.strided.gather [hbm4b:s0+s4], $0x4000, s6, s4, $0x38;
	[tilespmem:$0x14000] =	vst v63  }
0x2a: {  	s1 =	rddreg [dreg:$0x5]  }
0x2b: {  	[tilespmem:s21], [sflag:$0x3] =	stream.strided.gather [hbm4b:s1+s4], $0x4000, s6, s4, $0x38;
	[tilespmem:$0x14000] =	vst v63  }
0x2c: {  	_ =	swait.ge [sflag:s9], $0x4000  }
0x2d: {  	[sflag:s9] =	ssyncset.done $0x0  }
0x2e: {  	s0 =	rddreg [dreg:$0x6];
	[sflag:s9] =	ssyncadd.s32 $0xFFFFC000  }
0x2f: {  	[hbm4b:s0+s4] =	stream.strided.scatter [tilespmem:s2], [sflag:$0x6], $0x4000, s6, s4, $0x38;
	[tilespmem:$0x14000] =	vst v63  }
0x30: {  	s1 =	rddreg [dreg:$0x7]  }
0x31: {  	[tilespmem:s18], [sflag:$0x4] =	stream.strided.gather [hbm4b:s1+s4], $0x4000, s6, s4, $0x38;
	[tilespmem:$0x14000] =	vst v63  }
0x32: {  	_ =	swait.ge [sflag:s31], $0x4000  }
0x33: {  	[sflag:s31] =	ssyncset.done $0x0  }
0x34: {  	s0 =	rddreg [dreg:$0x8];
	[sflag:s31] =	ssyncadd.s32 $0xFFFFC000  }
0x35: {  	[hbm4b:s0+s4] =	stream.strided.scatter [tilespmem:s29], [sflag:$0x7], $0x4000, s6, s4, $0x38;
	[tilespmem:$0x14000] =	vst v63  }
0x36: {  	s1 =	rddreg [dreg:$0x9]  }
0x37: {  	[tilespmem:s16], [sflag:$0x5] =	stream.strided.gather [hbm4b:s1+s4], $0x4000, s6, s4, $0x38;
	[tilespmem:$0x14000] =	vst v63  }
0x38: {  	_ =	swait.ge [sflag:s28], $0x4000  }
0x39: {  	[sflag:s28] =	ssyncset.done $0x0  }
0x3a: {  	s1 =	rddreg [dreg:$0xa];
	[sflag:s28] =	ssyncadd.s32 $0xFFFFC000  }
0x3b: {  	[hbm4b:s1+s4] =	stream.strided.scatter [tilespmem:s21], [sflag:$0x8], $0x4000, s6, s4, $0x38;
	[tilespmem:$0x14000] =	vst v63  }
0x3c: {  	_ =	swait.ge [sflag:s11], $0x4000  }
0x3d: {  	[sflag:s11] =	ssyncset.done $0x0  }
0x3e: {  	s1 =	rddreg [dreg:$0xb];
	[sflag:s11] =	ssyncadd.s32 $0xFFFFC000  }
0x3f: {  	[tilespmem:s2], [sflag:$0x1] =	stream.strided.gather [hbm4b:s1+s4], $0x4000, s6, s4, $0x38;
	[tilespmem:$0x14000] =	vst v63  }
0x40: {  	_ =	swait.ge [sflag:s24], $0x4000  }
0x41: {  	[sflag:s24] =	ssyncset.done $0x0  }
0x42: {  	s1 =	rddreg [dreg:$0xc];
	[sflag:s24] =	ssyncadd.s32 $0xFFFFC000  }
0x43: {  	[hbm4b:s1+s4] =	stream.strided.scatter [tilespmem:s18], [sflag:$0x9], $0x4000, s6, s4, $0x38;
	[tilespmem:$0x14000] =	vst v63  }
0x44: {  	_ =	swait.ge [sflag:s14], $0x4000  }
0x45: {  	[sflag:s14] =	ssyncset.done $0x0  }
0x46: {  	s1 =	rddreg [dreg:$0xd];
	[sflag:s14] =	ssyncadd.s32 $0xFFFFC000  }
0x47: {  	[tilespmem:s29], [sflag:$0x2] =	stream.strided.gather [hbm4b:s1+s4], $0x4000, s6, s4, $0x38;
	[tilespmem:$0x14000] =	vst v63  }
0x48: {  	_ =	swait.ge [sflag:s23], $0x4000  }
0x49: {  	[sflag:s23] =	ssyncset.done $0x0  }
0x4a: {  	s1 =	rddreg [dreg:$0xe];
	[sflag:s23] =	ssyncadd.s32 $0xFFFFC000  }
0x4b: {  	[hbm4b:s1+s4] =	stream.strided.scatter [tilespmem:s16], [sflag:$0xA], $0x4000, s6, s4, $0x38;
	[tilespmem:$0x14000] =	vst v63  }
0x4c: {  	_ =	swait.ge [sflag:s13], $0x4000  }
0x4d: {  	[sflag:s13] =	ssyncset.done $0x0  }
0x4e: {  	s1 =	rddreg [dreg:$0xf];
	[sflag:s13] =	ssyncadd.s32 $0xFFFFC000  }
0x4f: {  	[tilespmem:s21], [sflag:$0x3] =	stream.strided.gather [hbm4b:s1+s4], $0x4000, s6, s4, $0x38;
	[tilespmem:$0x14000] =	vst v63  }
0x50: {  	_ =	swait.ge [sflag:s9], $0x4000  }
0x51: {  	[sflag:s9] =	ssyncset.done $0x0  }
0x52: {  	s1 =	rddreg [dreg:$0x10];
	[sflag:s9] =	ssyncadd.s32 $0xFFFFC000  }
0x53: {  	[hbm4b:s1+s4] =	stream.strided.scatter [tilespmem:s2], [sflag:$0x6], $0x4000, s6, s4, $0x38;
	[tilespmem:$0x14000] =	vst v63  }
0x54: {  	_ =	swait.ge [sflag:s10], $0x4000  }
0x55: {  	[sflag:s10] =	ssyncset.done $0x0  }
0x56: {  	s1 =	rddreg [dreg:$0x11];
	[sflag:s10] =	ssyncadd.s32 $0xFFFFC000  }
0x57: {  	[tilespmem:s18], [sflag:$0x4] =	stream.strided.gather [hbm4b:s1+s4], $0x4000, s6, s4, $0x38;
	[tilespmem:$0x14000] =	vst v63  }
0x58: {  	_ =	swait.ge [sflag:s31], $0x4000  }
0x59: {  	[sflag:s31] =	ssyncset.done $0x0  }
0x5a: {  	s1 =	rddreg [dreg:$0x12];
	[sflag:s31] =	ssyncadd.s32 $0xFFFFC000  }
0x5b: {  	[hbm4b:s1+s4] =	stream.strided.scatter [tilespmem:s29], [sflag:$0x7], $0x4000, s6, s4, $0x38;
	[tilespmem:$0x14000] =	vst v63  }
0x5c: {  	_ =	swait.ge [sflag:s7], $0x4000  }
0x5d: {  	[sflag:s7] =	ssyncset.done $0x0  }
0x5e: {  	s1 =	rddreg [dreg:$0x13];
	[sflag:s7] =	ssyncadd.s32 $0xFFFFC000  }
0x5f: {  	[tilespmem:s16], [sflag:$0x5] =	stream.strided.gather [hbm4b:s1+s4], $0x4000, s6, s4, $0x38;
	[tilespmem:$0x14000] =	vst v63  }
0x60: {  	_ =	swait.ge [sflag:s28], $0x4000  }
0x61: {  	[sflag:s28] =	ssyncset.done $0x0  }
0x62: {  	s1 =	rddreg [dreg:$0x14];
	[sflag:s28] =	ssyncadd.s32 $0xFFFFC000  }
0x63: {  	[hbm4b:s1+s4] =	stream.strided.scatter [tilespmem:s21], [sflag:$0x8], $0x4000, s6, s4, $0x38;
	[tilespmem:$0x14000] =	vst v63  }
0x64: {  	_ =	swait.ge [sflag:s11], $0x4000  }
0x65: {  	[sflag:s11] =	ssyncset.done $0x0  }
0x66: {  	s1 =	rddreg [dreg:$0x15];
	[sflag:s11] =	ssyncadd.s32 $0xFFFFC000  }
0x67: {  	[tilespmem:s2], [sflag:$0x1] =	stream.strided.gather [hbm4b:s1+s4], $0x4000, s6, s4, $0x38;
	[tilespmem:$0x14000] =	vst v63  }
0x68: {  	_ =	swait.ge [sflag:s24], $0x4000  }
0x69: {  	[sflag:s24] =	ssyncset.done $0x0  }
0x6a: {  	s1 =	rddreg [dreg:$0x16];
	[sflag:s24] =	ssyncadd.s32 $0xFFFFC000  }
0x6b: {  	[hbm4b:s1+s4] =	stream.strided.scatter [tilespmem:s18], [sflag:$0x9], $0x4000, s6, s4, $0x38;
	[tilespmem:$0x14000] =	vst v63  }
0x6c: {  	_ =	swait.ge [sflag:s14], $0x4000  }
0x6d: {  	[sflag:s14] =	ssyncset.done $0x0  }
0x6e: {  	[sflag:s14] =	ssyncadd.s32 $0xFFFFC000  }
0x6f: {  	[tilespmem:s29], [sflag:$0x2] =	stream.strided.gather [hbm4b:s30+s4], $0x4000, s6, s4, $0x38;
	[tilespmem:$0x14000] =	vst v63  }
0x70: {  	_ =	swait.ge [sflag:s23], $0x4000  }
0x71: {  	[sflag:s23] =	ssyncset.done $0x0  }
0x72: {  	[sflag:s23] =	ssyncadd.s32 $0xFFFFC000  }
0x73: {  	[hbm4b:s26+s4] =	stream.strided.scatter [tilespmem:s16], [sflag:$0xA], $0x4000, s6, s4, $0x38;
	[tilespmem:$0x14000] =	vst v63  }
0x74: {  	_ =	swait.ge [sflag:s13], $0x4000  }
0x75: {  	[sflag:s13] =	ssyncset.done $0x0  }
0x76: {  	[sflag:s13] =	ssyncadd.s32 $0xFFFFC000  }
0x77: {  	[tilespmem:s21], [sflag:$0x3] =	stream.strided.gather [hbm4b:s25+s4], $0x4000, s6, s4, $0x38;
	[tilespmem:$0x14000] =	vst v63  }
0x78: {  	_ =	swait.ge [sflag:s9], $0x4000  }
0x79: {  	[sflag:s9] =	ssyncset.done $0x0  }
0x7a: {  	[sflag:s9] =	ssyncadd.s32 $0xFFFFC000  }
0x7b: {  	[hbm4b:s22+s4] =	stream.strided.scatter [tilespmem:s2], [sflag:$0x6], $0x4000, s6, s4, $0x38;
	[tilespmem:$0x14000] =	vst v63  }
0x7c: {  	_ =	swait.ge [sflag:s10], $0x4000  }
0x7d: {  	[sflag:s10] =	ssyncset.done $0x0  }
0x7e: {  	[sflag:s10] =	ssyncadd.s32 $0xFFFFC000  }
0x7f: {  	[tilespmem:s18], [sflag:$0x4] =	stream.strided.gather [hbm4b:s20+s4], $0x4000, s6, s4, $0x38;
	[tilespmem:$0x14000] =	vst v63  }
0x80: {  	_ =	swait.ge [sflag:s31], $0x4000  }
0x81: {  	[sflag:s31] =	ssyncset.done $0x0  }
0x82: {  	[sflag:s31] =	ssyncadd.s32 $0xFFFFC000  }
0x83: {  	[hbm4b:s19+s4] =	stream.strided.scatter [tilespmem:s29], [sflag:$0x7], $0x4000, s6, s4, $0x38;
	[tilespmem:$0x14000] =	vst v63  }
0x84: {  	_ =	swait.ge [sflag:s7], $0x4000  }
0x85: {  	[sflag:s7] =	ssyncset.done $0x0  }
0x86: {  	[sflag:s7] =	ssyncadd.s32 $0xFFFFC000  }
0x87: {  	[tilespmem:s16], [sflag:$0x5] =	stream.strided.gather [hbm4b:s17+s4], $0x4000, s6, s4, $0x38;
	[tilespmem:$0x14000] =	vst v63  }
0x88: {  	_ =	swait.ge [sflag:s28], $0x4000  }
0x89: {  	[sflag:s28] =	ssyncset.done $0x0  }
0x8a: {  	[sflag:s28] =	ssyncadd.s32 $0xFFFFC000  }
0x8b: {  	[hbm4b:s15+s4] =	stream.strided.scatter [tilespmem:s21], [sflag:$0x8], $0x4000, s6, s4, $0x38;
	[tilespmem:$0x14000] =	vst v63  }
0x8c: {  	_ =	swait.ge [sflag:s11], $0x4000  }
0x8d: {  	[sflag:s11] =	ssyncset.done $0x0  }
0x8e: {  	[sflag:s11] =	ssyncadd.s32 $0xFFFFC000  }
0x8f: {  	[tilespmem:s2], [sflag:$0x1] =	stream.strided.gather [hbm4b:s12+s4], $0x4000, s6, s4, $0x38;
	[tilespmem:$0x14000] =	vst v63  }
0x90: {  	_ =	swait.ge [sflag:s24], $0x4000  }
0x91: {  	[sflag:s24] =	ssyncset.done $0x0  }
0x92: {  	[sflag:s24] =	ssyncadd.s32 $0xFFFFC000  }
0x93: {  	[hbm4b:s8+s4] =	stream.strided.scatter [tilespmem:s18], [sflag:$0x9], $0x4000, s6, s4, $0x38;
	[tilespmem:$0x14000] =	vst v63  }
0x94: {  	_ =	swait.ge [sflag:s23], $0x4000  }
0x95: {  	[sflag:s23] =	ssyncset.done $0x0  }
0x96: {  	[sflag:s23] =	ssyncadd.s32 $0xFFFFC000  }
0x97: {  	[hbm4b:s5+s4] =	stream.strided.scatter [tilespmem:s16], [sflag:$0xA], $0x4000, s6, s4, $0x38;
	[tilespmem:$0x14000] =	vst v63  }
0x98: {  	_ =	swait.ge [sflag:s9], $0x4000  }
0x99: {  	[sflag:s9] =	ssyncset.done $0x0  }
0x9a: {  	[sflag:s9] =	ssyncadd.s32 $0xFFFFC000  }
0x9b: {  	[hbm4b:s3+s4] =	stream.strided.scatter [tilespmem:s2], [sflag:$0x6], $0x4000, s6, s4, $0x38;
	[tilespmem:$0x14000] =	vst v63  }
0x9c: {  	_ =	swait.ge [sflag:s11], $0x4000  }
0x9d: {  	[sflag:s11] =	ssyncset.done $0x0  }
0x9e: {  	[sflag:s11] =	ssyncadd.s32 $0xFFFFC000  }
0x9f: {  	_ =	swait.ge [sflag:s14], $0x4000  }
0xa0: {  	[sflag:s14] =	ssyncset.done $0x0  }
0xa1: {  	[sflag:s14] =	ssyncadd.s32 $0xFFFFC000  }
0xa2: {  	_ =	swait.ge [sflag:s13], $0x4000  }
0xa3: {  	[sflag:s13] =	ssyncset.done $0x0  }
0xa4: {  	[sflag:s13] =	ssyncadd.s32 $0xFFFFC000  }
0xa5: {  	_ =	swait.ge [sflag:s10], $0x4000  }
0xa6: {  	s1 =	rddreg [dreg:$0x17]  }
0xa7: {  	p1 =	sne.s32 s1, $0x1  }
.Ltmp1:
0xa8: {  	_ = 	snop;
	(pc) =	sbr.rel @!p1 .LBB2_3-.Ltmp1, $4  }
0xa9: {  	[sflag:s10] =	ssyncset.done $0x0  }
0xaa: {  	[sflag:s10] =	ssyncadd.s32 $0xFFFFC000  }
0xab: {  	p0 =	por $0x1, $0x1;
	_ =	swait.ge [sflag:s7], $0x4000  }
0xac: {  	s0 =	sadd.s32 $0xFFFFFFFF, s1;
	s1 =	rddreg [dreg:$0x3];
	[sflag:s7] =	ssyncset.done $0x0  }
.LBB2_2:
0xad: {  	[sflag:s7] =	ssyncadd.s32 $0xFFFFC000  }
0xae: {  	s7 =	simm.s32 $0x0;
	s2 =	simm.s32 $0x4000;
	s16 =	smov.u32 s30  }
0xaf: {  	s30 =	smov.u32 s26;
	s26 =	smov.u32 s25;
	s25 =	smov.u32 s22  }
0xb0: {  	s22 =	smov.u32 s20;
	s20 =	smov.u32 s19;
	s19 =	smov.u32 s17  }
0xb1: {  	s17 =	smov.u32 s15;
	s15 =	smov.u32 s12;
	s12 =	smov.u32 s8  }
0xb2: {  	[tilespmem:s7], [sflag:$0x1] =	stream.strided.gather [hbm4b:s1+s4], $0x4000, s6, s4, $0x38;
	[tilespmem:$0x14000] =	vst v63  }
0xb3: {  	s8 =	smov.u32 s5;
	s5 =	smov.u32 s3;
	s3 =	rddreg [dreg:$0x4]  }
0xb4: {  	[tilespmem:s2], [sflag:$0x2] =	stream.strided.gather [hbm4b:s3+s4], $0x4000, s6, s4, $0x38;
	[tilespmem:$0x14000] =	vst v63  }
0xb5: {  	s29 =	simm.s32 $0x8000;
	s1 =	rddreg [dreg:$0x5]  }
0xb6: {  	[tilespmem:s29], [sflag:$0x3] =	stream.strided.gather [hbm4b:s1+s4], $0x4000, s6, s4, $0x38;
	[tilespmem:$0x14000] =	vst v63  }
0xb7: {  	_ =	swait.ge [sflag:s9], $0x4000  }
0xb8: {  	[sflag:s9] =	ssyncset.done $0x0  }
0xb9: {  	s2 =	simm.s32 $0x0;
	s1 =	rddreg [dreg:$0x6];
	[sflag:s9] =	ssyncadd.s32 $0xFFFFC000  }
0xba: {  	[hbm4b:s1+s4] =	stream.strided.scatter [tilespmem:s2], [sflag:$0x6], $0x4000, s6, s4, $0x38;
	[tilespmem:$0x14000] =	vst v63  }
0xbb: {  	s21 =	simm.s32 $0xC000;
	s3 =	rddreg [dreg:$0x7]  }
0xbc: {  	[tilespmem:s21], [sflag:$0x4] =	stream.strided.gather [hbm4b:s3+s4], $0x4000, s6, s4, $0x38;
	[tilespmem:$0x14000] =	vst v63  }
0xbd: {  	_ =	swait.ge [sflag:s31], $0x4000  }
0xbe: {  	[sflag:s31] =	ssyncset.done $0x0  }
0xbf: {  	s29 =	simm.s32 $0x4000;
	s1 =	rddreg [dreg:$0x8];
	[sflag:s31] =	ssyncadd.s32 $0xFFFFC000  }
0xc0: {  	[hbm4b:s1+s4] =	stream.strided.scatter [tilespmem:s29], [sflag:$0x7], $0x4000, s6, s4, $0x38;
	[tilespmem:$0x14000] =	vst v63  }
0xc1: {  	s18 =	simm.s32 $0x10000;
	s3 =	rddreg [dreg:$0x9]  }
0xc2: {  	[tilespmem:s18], [sflag:$0x5] =	stream.strided.gather [hbm4b:s3+s4], $0x4000, s6, s4, $0x38;
	[tilespmem:$0x14000] =	vst v63  }
0xc3: {  	_ =	swait.ge [sflag:s28], $0x4000  }
0xc4: {  	[sflag:s28] =	ssyncset.done $0x0  }
0xc5: {  	s21 =	simm.s32 $0x8000;
	s1 =	rddreg [dreg:$0xa];
	[sflag:s28] =	ssyncadd.s32 $0xFFFFC000  }
0xc6: {  	[hbm4b:s1+s4] =	stream.strided.scatter [tilespmem:s21], [sflag:$0x8], $0x4000, s6, s4, $0x38;
	[tilespmem:$0x14000] =	vst v63  }
0xc7: {  	_ =	swait.ge [sflag:s11], $0x4000  }
0xc8: {  	[sflag:s11] =	ssyncset.done $0x0  }
0xc9: {  	s1 =	rddreg [dreg:$0xb];
	[sflag:s11] =	ssyncadd.s32 $0xFFFFC000  }
0xca: {  	[tilespmem:s2], [sflag:$0x1] =	stream.strided.gather [hbm4b:s1+s4], $0x4000, s6, s4, $0x38;
	[tilespmem:$0x14000] =	vst v63  }
0xcb: {  	s18 =	simm.s32 $0xC000;
	_ =	swait.ge [sflag:s24], $0x4000  }
0xcc: {  	s3 =	smov.u32 s5;
	s5 =	smov.u32 s8;
	[sflag:s24] =	ssyncset.done $0x0  }
0xcd: {  	s8 =	smov.u32 s12;
	s1 =	rddreg [dreg:$0xc];
	[sflag:s24] =	ssyncadd.s32 $0xFFFFC000  }
0xce: {  	[hbm4b:s1+s4] =	stream.strided.scatter [tilespmem:s18], [sflag:$0x9], $0x4000, s6, s4, $0x38;
	[tilespmem:$0x14000] =	vst v63  }
0xcf: {  	s12 =	smov.u32 s15;
	s15 =	smov.u32 s17;
	_ =	swait.ge [sflag:s14], $0x4000  }
0xd0: {  	s17 =	smov.u32 s19;
	s19 =	smov.u32 s20;
	[sflag:s14] =	ssyncset.done $0x0  }
0xd1: {  	s20 =	smov.u32 s22;
	s1 =	rddreg [dreg:$0xd];
	[sflag:s14] =	ssyncadd.s32 $0xFFFFC000  }
0xd2: {  	[tilespmem:s29], [sflag:$0x2] =	stream.strided.gather [hbm4b:s1+s4], $0x4000, s6, s4, $0x38;
	[tilespmem:$0x14000] =	vst v63  }
0xd3: {  	s22 =	smov.u32 s25;
	s25 =	smov.u32 s26;
	_ =	swait.ge [sflag:s23], $0x4000  }
0xd4: {  	s26 =	smov.u32 s30;
	s30 =	smov.u32 s16;
	[sflag:s23] =	ssyncset.done $0x0  }
0xd5: {  	s16 =	simm.s32 $0x10000;
	s1 =	rddreg [dreg:$0xe];
	[sflag:s23] =	ssyncadd.s32 $0xFFFFC000  }
0xd6: {  	[hbm4b:s1+s4] =	stream.strided.scatter [tilespmem:s16], [sflag:$0xA], $0x4000, s6, s4, $0x38;
	[tilespmem:$0x14000] =	vst v63  }
0xd7: {  	_ =	swait.ge [sflag:s13], $0x4000  }
0xd8: {  	[sflag:s13] =	ssyncset.done $0x0  }
0xd9: {  	s1 =	rddreg [dreg:$0xf];
	[sflag:s13] =	ssyncadd.s32 $0xFFFFC000  }
0xda: {  	[tilespmem:s21], [sflag:$0x3] =	stream.strided.gather [hbm4b:s1+s4], $0x4000, s6, s4, $0x38;
	[tilespmem:$0x14000] =	vst v63  }
0xdb: {  	_ =	swait.ge [sflag:s9], $0x4000  }
0xdc: {  	[sflag:s9] =	ssyncset.done $0x0  }
0xdd: {  	s1 =	rddreg [dreg:$0x10];
	[sflag:s9] =	ssyncadd.s32 $0xFFFFC000  }
0xde: {  	[hbm4b:s1+s4] =	stream.strided.scatter [tilespmem:s2], [sflag:$0x6], $0x4000, s6, s4, $0x38;
	[tilespmem:$0x14000] =	vst v63  }
0xdf: {  	_ =	swait.ge [sflag:s10], $0x4000  }
0xe0: {  	[sflag:s10] =	ssyncset.done $0x0  }
0xe1: {  	s1 =	rddreg [dreg:$0x11];
	[sflag:s10] =	ssyncadd.s32 $0xFFFFC000  }
0xe2: {  	[tilespmem:s18], [sflag:$0x4] =	stream.strided.gather [hbm4b:s1+s4], $0x4000, s6, s4, $0x38;
	[tilespmem:$0x14000] =	vst v63  }
0xe3: {  	_ =	swait.ge [sflag:s31], $0x4000  }
0xe4: {  	[sflag:s31] =	ssyncset.done $0x0  }
0xe5: {  	s7 =	simm.s32 $0xA;
	s1 =	rddreg [dreg:$0x12];
	[sflag:s31] =	ssyncadd.s32 $0xFFFFC000  }
0xe6: {  	[hbm4b:s1+s4] =	stream.strided.scatter [tilespmem:s29], [sflag:$0x7], $0x4000, s6, s4, $0x38;
	[tilespmem:$0x14000] =	vst v63  }
0xe7: {  	_ =	swait.ge [sflag:s7], $0x4000  }
0xe8: {  	[sflag:s7] =	ssyncset.done $0x0  }
0xe9: {  	s1 =	rddreg [dreg:$0x13];
	[sflag:s7] =	ssyncadd.s32 $0xFFFFC000  }
0xea: {  	[tilespmem:s16], [sflag:$0x5] =	stream.strided.gather [hbm4b:s1+s4], $0x4000, s6, s4, $0x38;
	[tilespmem:$0x14000] =	vst v63  }
0xeb: {  	_ =	swait.ge [sflag:s28], $0x4000  }
0xec: {  	[sflag:s28] =	ssyncset.done $0x0  }
0xed: {  	s1 =	rddreg [dreg:$0x14];
	[sflag:s28] =	ssyncadd.s32 $0xFFFFC000  }
0xee: {  	[hbm4b:s1+s4] =	stream.strided.scatter [tilespmem:s21], [sflag:$0x8], $0x4000, s6, s4, $0x38;
	[tilespmem:$0x14000] =	vst v63  }
0xef: {  	_ =	swait.ge [sflag:s11], $0x4000  }
0xf0: {  	[sflag:s11] =	ssyncset.done $0x0  }
0xf1: {  	s1 =	rddreg [dreg:$0x15];
	[sflag:s11] =	ssyncadd.s32 $0xFFFFC000  }
0xf2: {  	[tilespmem:s2], [sflag:$0x1] =	stream.strided.gather [hbm4b:s1+s4], $0x4000, s6, s4, $0x38;
	[tilespmem:$0x14000] =	vst v63  }
0xf3: {  	_ =	swait.ge [sflag:s24], $0x4000  }
0xf4: {  	[sflag:s24] =	ssyncset.done $0x0  }
0xf5: {  	s1 =	rddreg [dreg:$0x16];
	[sflag:s24] =	ssyncadd.s32 $0xFFFFC000  }
0xf6: {  	[hbm4b:s1+s4] =	stream.strided.scatter [tilespmem:s18], [sflag:$0x9], $0x4000, s6, s4, $0x38;
	[tilespmem:$0x14000] =	vst v63  }
0xf7: {  	_ =	swait.ge [sflag:s14], $0x4000  }
0xf8: {  	[sflag:s14] =	ssyncset.done $0x0  }
0xf9: {  	[sflag:s14] =	ssyncadd.s32 $0xFFFFC000  }
0xfa: {  	[tilespmem:s29], [sflag:$0x2] =	stream.strided.gather [hbm4b:s30+s4], $0x4000, s6, s4, $0x38;
	[tilespmem:$0x14000] =	vst v63  }
0xfb: {  	_ =	swait.ge [sflag:s23], $0x4000  }
0xfc: {  	[sflag:s23] =	ssyncset.done $0x0  }
0xfd: {  	[sflag:s23] =	ssyncadd.s32 $0xFFFFC000  }
0xfe: {  	[hbm4b:s26+s4] =	stream.strided.scatter [tilespmem:s16], [sflag:$0xA], $0x4000, s6, s4, $0x38;
	[tilespmem:$0x14000] =	vst v63  }
0xff: {  	_ =	swait.ge [sflag:s13], $0x4000  }
0x100: {  	[sflag:s13] =	ssyncset.done $0x0  }
0x101: {  	[sflag:s13] =	ssyncadd.s32 $0xFFFFC000  }
0x102: {  	[tilespmem:s21], [sflag:$0x3] =	stream.strided.gather [hbm4b:s25+s4], $0x4000, s6, s4, $0x38;
	[tilespmem:$0x14000] =	vst v63  }
0x103: {  	_ =	swait.ge [sflag:s9], $0x4000  }
0x104: {  	[sflag:s9] =	ssyncset.done $0x0  }
0x105: {  	[sflag:s9] =	ssyncadd.s32 $0xFFFFC000  }
0x106: {  	[hbm4b:s22+s4] =	stream.strided.scatter [tilespmem:s2], [sflag:$0x6], $0x4000, s6, s4, $0x38;
	[tilespmem:$0x14000] =	vst v63  }
0x107: {  	_ =	swait.ge [sflag:s10], $0x4000  }
0x108: {  	[sflag:s10] =	ssyncset.done $0x0  }
0x109: {  	[sflag:s10] =	ssyncadd.s32 $0xFFFFC000  }
0x10a: {  	[tilespmem:s18], [sflag:$0x4] =	stream.strided.gather [hbm4b:s20+s4], $0x4000, s6, s4, $0x38;
	[tilespmem:$0x14000] =	vst v63  }
0x10b: {  	_ =	swait.ge [sflag:s31], $0x4000  }
0x10c: {  	[sflag:s31] =	ssyncset.done $0x0  }
0x10d: {  	[sflag:s31] =	ssyncadd.s32 $0xFFFFC000  }
0x10e: {  	[hbm4b:s19+s4] =	stream.strided.scatter [tilespmem:s29], [sflag:$0x7], $0x4000, s6, s4, $0x38;
	[tilespmem:$0x14000] =	vst v63  }
0x10f: {  	_ =	swait.ge [sflag:s7], $0x4000  }
0x110: {  	[sflag:s7] =	ssyncset.done $0x0  }
0x111: {  	[sflag:s7] =	ssyncadd.s32 $0xFFFFC000  }
0x112: {  	[tilespmem:s16], [sflag:$0x5] =	stream.strided.gather [hbm4b:s17+s4], $0x4000, s6, s4, $0x38;
	[tilespmem:$0x14000] =	vst v63  }
0x113: {  	_ =	swait.ge [sflag:s28], $0x4000  }
0x114: {  	[sflag:s28] =	ssyncset.done $0x0  }
0x115: {  	[sflag:s28] =	ssyncadd.s32 $0xFFFFC000  }
0x116: {  	[hbm4b:s15+s4] =	stream.strided.scatter [tilespmem:s21], [sflag:$0x8], $0x4000, s6, s4, $0x38;
	[tilespmem:$0x14000] =	vst v63  }
0x117: {  	_ =	swait.ge [sflag:s11], $0x4000  }
0x118: {  	[sflag:s11] =	ssyncset.done $0x0  }
0x119: {  	[sflag:s11] =	ssyncadd.s32 $0xFFFFC000  }
0x11a: {  	[tilespmem:s2], [sflag:$0x1] =	stream.strided.gather [hbm4b:s12+s4], $0x4000, s6, s4, $0x38;
	[tilespmem:$0x14000] =	vst v63  }
0x11b: {  	_ =	swait.ge [sflag:s24], $0x4000  }
0x11c: {  	[sflag:s24] =	ssyncset.done $0x0  }
0x11d: {  	[sflag:s24] =	ssyncadd.s32 $0xFFFFC000  }
0x11e: {  	[hbm4b:s8+s4] =	stream.strided.scatter [tilespmem:s18], [sflag:$0x9], $0x4000, s6, s4, $0x38;
	[tilespmem:$0x14000] =	vst v63  }
0x11f: {  	_ =	swait.ge [sflag:s23], $0x4000  }
0x120: {  	[sflag:s23] =	ssyncset.done $0x0  }
0x121: {  	[sflag:s23] =	ssyncadd.s32 $0xFFFFC000  }
0x122: {  	[hbm4b:s5+s4] =	stream.strided.scatter [tilespmem:s16], [sflag:$0xA], $0x4000, s6, s4, $0x38;
	[tilespmem:$0x14000] =	vst v63  }
0x123: {  	_ =	swait.ge [sflag:s9], $0x4000  }
0x124: {  	[sflag:s9] =	ssyncset.done $0x0  }
0x125: {  	[sflag:s9] =	ssyncadd.s32 $0xFFFFC000  }
0x126: {  	[hbm4b:s3+s4] =	stream.strided.scatter [tilespmem:s2], [sflag:$0x6], $0x4000, s6, s4, $0x38;
	[tilespmem:$0x14000] =	vst v63  }
0x127: {  	_ =	swait.ge [sflag:s11], $0x4000  }
0x128: {  	[sflag:s11] =	ssyncset.done $0x0  }
0x129: {  	[sflag:s11] =	ssyncadd.s32 $0xFFFFC000  }
0x12a: {  	_ =	swait.ge [sflag:s14], $0x4000  }
0x12b: {  	[sflag:s14] =	ssyncset.done $0x0  }
0x12c: {  	[sflag:s14] =	ssyncadd.s32 $0xFFFFC000  }
0x12d: {  	_ =	swait.ge [sflag:s13], $0x4000  }
0x12e: {  	[sflag:s13] =	ssyncset.done $0x0  }
0x12f: {  	p1 =	sne.s32 s0, $0x1;
	[sflag:s13] =	ssyncadd.s32 $0xFFFFC000  }
.Ltmp2:
0x130: {  	_ =	swait.ge [sflag:s10], $0x4000;
	(pc) =	sbr.rel @p1 .LBB2_2-.Ltmp2, $4  }
0x131: {  	[sflag:s10] =	ssyncset.done $0x0  }
0x132: {  	[sflag:s10] =	ssyncadd.s32 $0xFFFFC000  }
0x133: {  	_ =	swait.ge [sflag:s7], $0x4000  }
0x134: {  	s0 =	sadd.s32 $0xFFFFFFFF, s0;
	s1 =	rddreg [dreg:$0x3];
	[sflag:s7] =	ssyncset.done $0x0  }
.LBB2_3:
0x135: {  	[sflag:s7] =	ssyncadd.s32 @p0 $0xFFFFC000  }
0x136: {  	[tilespmem:s2], [sflag:$0x1] =	stream.strided.gather [hbm4b:s1+s4], $0x4000, s6, s4, $0x38;
	[tilespmem:$0x14000] =	vst v63  }
0x137: {  	s0 =	rddreg [dreg:$0x4]  }
0x138: {  	[tilespmem:s29], [sflag:$0x2] =	stream.strided.gather [hbm4b:s0+s4], $0x4000, s6, s4, $0x38;
	[tilespmem:$0x14000] =	vst v63  }
0x139: {  	s1 =	rddreg [dreg:$0x5]  }
0x13a: {  	[tilespmem:s21], [sflag:$0x3] =	stream.strided.gather [hbm4b:s1+s4], $0x4000, s6, s4, $0x38;
	[tilespmem:$0x14000] =	vst v63  }
0x13b: {  	_ =	swait.ge [sflag:s9], $0x4000  }
0x13c: {  	[sflag:s9] =	ssyncset.done $0x0  }
0x13d: {  	s0 =	rddreg [dreg:$0x6];
	[sflag:s9] =	ssyncadd.s32 $0xFFFFC000  }
0x13e: {  	[hbm4b:s0+s4] =	stream.strided.scatter [tilespmem:s2], [sflag:$0x6], $0x4000, s6, s4, $0x38;
	[tilespmem:$0x14000] =	vst v63  }
0x13f: {  	s1 =	rddreg [dreg:$0x7]  }
0x140: {  	[tilespmem:s18], [sflag:$0x4] =	stream.strided.gather [hbm4b:s1+s4], $0x4000, s6, s4, $0x38;
	[tilespmem:$0x14000] =	vst v63  }
0x141: {  	_ =	swait.ge [sflag:s31], $0x4000  }
0x142: {  	[sflag:s31] =	ssyncset.done $0x0  }
0x143: {  	s0 =	rddreg [dreg:$0x8];
	[sflag:s31] =	ssyncadd.s32 $0xFFFFC000  }
0x144: {  	[hbm4b:s0+s4] =	stream.strided.scatter [tilespmem:s29], [sflag:$0x7], $0x4000, s6, s4, $0x38;
	[tilespmem:$0x14000] =	vst v63  }
0x145: {  	s1 =	rddreg [dreg:$0x9]  }
0x146: {  	[tilespmem:s16], [sflag:$0x5] =	stream.strided.gather [hbm4b:s1+s4], $0x4000, s6, s4, $0x38;
	[tilespmem:$0x14000] =	vst v63  }
0x147: {  	_ =	swait.ge [sflag:s28], $0x4000  }
0x148: {  	[sflag:s28] =	ssyncset.done $0x0  }
0x149: {  	s1 =	rddreg [dreg:$0xa];
	[sflag:s28] =	ssyncadd.s32 $0xFFFFC000  }
0x14a: {  	[hbm4b:s1+s4] =	stream.strided.scatter [tilespmem:s21], [sflag:$0x8], $0x4000, s6, s4, $0x38;
	[tilespmem:$0x14000] =	vst v63  }
0x14b: {  	_ =	swait.ge [sflag:s11], $0x4000  }
0x14c: {  	[sflag:s11] =	ssyncset.done $0x0  }
0x14d: {  	s1 =	rddreg [dreg:$0xb];
	[sflag:s11] =	ssyncadd.s32 $0xFFFFC000  }
0x14e: {  	[tilespmem:s2], [sflag:$0x1] =	stream.strided.gather [hbm4b:s1+s4], $0x4000, s6, s4, $0x38;
	[tilespmem:$0x14000] =	vst v63  }
0x14f: {  	_ =	swait.ge [sflag:s24], $0x4000  }
0x150: {  	[sflag:s24] =	ssyncset.done $0x0  }
0x151: {  	s1 =	rddreg [dreg:$0xc];
	[sflag:s24] =	ssyncadd.s32 $0xFFFFC000  }
0x152: {  	[hbm4b:s1+s4] =	stream.strided.scatter [tilespmem:s18], [sflag:$0x9], $0x4000, s6, s4, $0x38;
	[tilespmem:$0x14000] =	vst v63  }
0x153: {  	_ =	swait.ge [sflag:s14], $0x4000  }
0x154: {  	[sflag:s14] =	ssyncset.done $0x0  }
0x155: {  	s1 =	rddreg [dreg:$0xd];
	[sflag:s14] =	ssyncadd.s32 $0xFFFFC000  }
0x156: {  	[tilespmem:s29], [sflag:$0x2] =	stream.strided.gather [hbm4b:s1+s4], $0x4000, s6, s4, $0x38;
	[tilespmem:$0x14000] =	vst v63  }
0x157: {  	_ =	swait.ge [sflag:s23], $0x4000  }
0x158: {  	[sflag:s23] =	ssyncset.done $0x0  }
0x159: {  	s1 =	rddreg [dreg:$0xe];
	[sflag:s23] =	ssyncadd.s32 $0xFFFFC000  }
0x15a: {  	[hbm4b:s1+s4] =	stream.strided.scatter [tilespmem:s16], [sflag:$0xA], $0x4000, s6, s4, $0x38;
	[tilespmem:$0x14000] =	vst v63  }
0x15b: {  	_ =	swait.ge [sflag:s13], $0x4000  }
0x15c: {  	[sflag:s13] =	ssyncset.done $0x0  }
0x15d: {  	s1 =	rddreg [dreg:$0xf];
	[sflag:s13] =	ssyncadd.s32 $0xFFFFC000  }
0x15e: {  	[tilespmem:s21], [sflag:$0x3] =	stream.strided.gather [hbm4b:s1+s4], $0x4000, s6, s4, $0x38;
	[tilespmem:$0x14000] =	vst v63  }
0x15f: {  	_ =	swait.ge [sflag:s9], $0x4000  }
0x160: {  	[sflag:s9] =	ssyncset.done $0x0  }
0x161: {  	s1 =	rddreg [dreg:$0x10];
	[sflag:s9] =	ssyncadd.s32 $0xFFFFC000  }
0x162: {  	[hbm4b:s1+s4] =	stream.strided.scatter [tilespmem:s2], [sflag:$0x6], $0x4000, s6, s4, $0x38;
	[tilespmem:$0x14000] =	vst v63  }
0x163: {  	_ =	swait.ge [sflag:s10], $0x4000  }
0x164: {  	[sflag:s10] =	ssyncset.done $0x0  }
0x165: {  	s1 =	rddreg [dreg:$0x11];
	[sflag:s10] =	ssyncadd.s32 $0xFFFFC000  }
0x166: {  	[tilespmem:s18], [sflag:$0x4] =	stream.strided.gather [hbm4b:s1+s4], $0x4000, s6, s4, $0x38;
	[tilespmem:$0x14000] =	vst v63  }
0x167: {  	_ =	swait.ge [sflag:s31], $0x4000  }
0x168: {  	[sflag:s31] =	ssyncset.done $0x0  }
0x169: {  	s1 =	rddreg [dreg:$0x12];
	[sflag:s31] =	ssyncadd.s32 $0xFFFFC000  }
0x16a: {  	[hbm4b:s1+s4] =	stream.strided.scatter [tilespmem:s29], [sflag:$0x7], $0x4000, s6, s4, $0x38;
	[tilespmem:$0x14000] =	vst v63  }
0x16b: {  	_ =	swait.ge [sflag:s7], $0x4000  }
0x16c: {  	[sflag:s7] =	ssyncset.done $0x0  }
0x16d: {  	s1 =	rddreg [dreg:$0x13];
	[sflag:s7] =	ssyncadd.s32 $0xFFFFC000  }
0x16e: {  	[tilespmem:s16], [sflag:$0x5] =	stream.strided.gather [hbm4b:s1+s4], $0x4000, s6, s4, $0x38;
	[tilespmem:$0x14000] =	vst v63  }
0x16f: {  	_ =	swait.ge [sflag:s28], $0x4000  }
0x170: {  	[sflag:s28] =	ssyncset.done $0x0  }
0x171: {  	s1 =	rddreg [dreg:$0x14];
	[sflag:s28] =	ssyncadd.s32 $0xFFFFC000  }
0x172: {  	[hbm4b:s1+s4] =	stream.strided.scatter [tilespmem:s21], [sflag:$0x8], $0x4000, s6, s4, $0x38;
	[tilespmem:$0x14000] =	vst v63  }
0x173: {  	_ =	swait.ge [sflag:s11], $0x4000  }
0x174: {  	[sflag:s11] =	ssyncset.done $0x0  }
0x175: {  	s1 =	rddreg [dreg:$0x15];
	[sflag:s11] =	ssyncadd.s32 $0xFFFFC000  }
0x176: {  	[tilespmem:s2], [sflag:$0x1] =	stream.strided.gather [hbm4b:s1+s4], $0x4000, s6, s4, $0x38;
	[tilespmem:$0x14000] =	vst v63  }
0x177: {  	_ =	swait.ge [sflag:s24], $0x4000  }
0x178: {  	[sflag:s24] =	ssyncset.done $0x0  }
0x179: {  	s1 =	rddreg [dreg:$0x16];
	[sflag:s24] =	ssyncadd.s32 $0xFFFFC000  }
0x17a: {  	[hbm4b:s1+s4] =	stream.strided.scatter [tilespmem:s18], [sflag:$0x9], $0x4000, s6, s4, $0x38;
	[tilespmem:$0x14000] =	vst v63  }
0x17b: {  	_ =	swait.ge [sflag:s14], $0x4000  }
0x17c: {  	[sflag:s14] =	ssyncset.done $0x0  }
0x17d: {  	[sflag:s14] =	ssyncadd.s32 $0xFFFFC000  }
0x17e: {  	[tilespmem:s29], [sflag:$0x2] =	stream.strided.gather [hbm4b:s30+s4], $0x4000, s6, s4, $0x38;
	[tilespmem:$0x14000] =	vst v63  }
0x17f: {  	_ =	swait.ge [sflag:s23], $0x4000  }
0x180: {  	[sflag:s23] =	ssyncset.done $0x0  }
0x181: {  	[sflag:s23] =	ssyncadd.s32 $0xFFFFC000  }
0x182: {  	[hbm4b:s26+s4] =	stream.strided.scatter [tilespmem:s16], [sflag:$0xA], $0x4000, s6, s4, $0x38;
	[tilespmem:$0x14000] =	vst v63  }
0x183: {  	_ =	swait.ge [sflag:s13], $0x4000  }
0x184: {  	[sflag:s13] =	ssyncset.done $0x0  }
0x185: {  	[sflag:s13] =	ssyncadd.s32 $0xFFFFC000  }
0x186: {  	[tilespmem:s21], [sflag:$0x3] =	stream.strided.gather [hbm4b:s25+s4], $0x4000, s6, s4, $0x38;
	[tilespmem:$0x14000] =	vst v63  }
0x187: {  	_ =	swait.ge [sflag:s9], $0x4000  }
0x188: {  	[sflag:s9] =	ssyncset.done $0x0  }
0x189: {  	[sflag:s9] =	ssyncadd.s32 $0xFFFFC000  }
0x18a: {  	[hbm4b:s22+s4] =	stream.strided.scatter [tilespmem:s2], [sflag:$0x6], $0x4000, s6, s4, $0x38;
	[tilespmem:$0x14000] =	vst v63  }
0x18b: {  	_ =	swait.ge [sflag:s10], $0x4000  }
0x18c: {  	[sflag:s10] =	ssyncset.done $0x0  }
0x18d: {  	[sflag:s10] =	ssyncadd.s32 $0xFFFFC000  }
0x18e: {  	[tilespmem:s18], [sflag:$0x4] =	stream.strided.gather [hbm4b:s20+s4], $0x4000, s6, s4, $0x38;
	[tilespmem:$0x14000] =	vst v63  }
0x18f: {  	_ =	swait.ge [sflag:s31], $0x4000  }
0x190: {  	[sflag:s31] =	ssyncset.done $0x0  }
0x191: {  	[sflag:s31] =	ssyncadd.s32 $0xFFFFC000  }
0x192: {  	[hbm4b:s19+s4] =	stream.strided.scatter [tilespmem:s29], [sflag:$0x7], $0x4000, s6, s4, $0x38;
	[tilespmem:$0x14000] =	vst v63  }
0x193: {  	_ =	swait.ge [sflag:s7], $0x4000  }
0x194: {  	[sflag:s7] =	ssyncset.done $0x0  }
0x195: {  	[sflag:s7] =	ssyncadd.s32 $0xFFFFC000  }
0x196: {  	[tilespmem:s16], [sflag:$0x5] =	stream.strided.gather [hbm4b:s17+s4], $0x4000, s6, s4, $0x38;
	[tilespmem:$0x14000] =	vst v63  }
0x197: {  	_ =	swait.ge [sflag:s28], $0x4000  }
0x198: {  	[sflag:s28] =	ssyncset.done $0x0  }
0x199: {  	[sflag:s28] =	ssyncadd.s32 $0xFFFFC000  }
0x19a: {  	[hbm4b:s15+s4] =	stream.strided.scatter [tilespmem:s21], [sflag:$0x8], $0x4000, s6, s4, $0x38;
	[tilespmem:$0x14000] =	vst v63  }
0x19b: {  	_ =	swait.ge [sflag:s11], $0x4000  }
0x19c: {  	[sflag:s11] =	ssyncset.done $0x0  }
0x19d: {  	[sflag:s11] =	ssyncadd.s32 $0xFFFFC000  }
0x19e: {  	[tilespmem:s2], [sflag:$0x1] =	stream.strided.gather [hbm4b:s12+s4], $0x4000, s6, s4, $0x38;
	[tilespmem:$0x14000] =	vst v63  }
0x19f: {  	_ =	swait.ge [sflag:s24], $0x4000  }
0x1a0: {  	[sflag:s24] =	ssyncset.done $0x0  }
0x1a1: {  	[sflag:s24] =	ssyncadd.s32 $0xFFFFC000  }
0x1a2: {  	[hbm4b:s8+s4] =	stream.strided.scatter [tilespmem:s18], [sflag:$0x9], $0x4000, s6, s4, $0x38;
	[tilespmem:$0x14000] =	vst v63  }
0x1a3: {  	_ =	swait.ge [sflag:s23], $0x4000  }
0x1a4: {  	[sflag:s23] =	ssyncset.done $0x0  }
0x1a5: {  	[sflag:s23] =	ssyncadd.s32 $0xFFFFC000  }
0x1a6: {  	[hbm4b:s5+s4] =	stream.strided.scatter [tilespmem:s16], [sflag:$0xA], $0x4000, s6, s4, $0x38;
	[tilespmem:$0x14000] =	vst v63  }
0x1a7: {  	_ =	swait.ge [sflag:s9], $0x4000  }
0x1a8: {  	[sflag:s9] =	ssyncset.done $0x0  }
0x1a9: {  	[sflag:s9] =	ssyncadd.s32 $0xFFFFC000  }
0x1aa: {  	[hbm4b:s3+s4] =	stream.strided.scatter [tilespmem:s2], [sflag:$0x6], $0x4000, s6, s4, $0x38;
	[tilespmem:$0x14000] =	vst v63  }
0x1ab: {  	_ =	swait.ge [sflag:s11], $0x4000  }
0x1ac: {  	[sflag:s11] =	ssyncset.done $0x0  }
0x1ad: {  	[sflag:s11] =	ssyncadd.s32 $0xFFFFC000  }
0x1ae: {  	_ =	swait.ge [sflag:s14], $0x4000  }
0x1af: {  	[sflag:s14] =	ssyncset.done $0x0  }
0x1b0: {  	[sflag:s14] =	ssyncadd.s32 $0xFFFFC000  }
0x1b1: {  	_ =	swait.ge [sflag:s13], $0x4000  }
0x1b2: {  	[sflag:s13] =	ssyncset.done $0x0  }
0x1b3: {  	[sflag:s13] =	ssyncadd.s32 $0xFFFFC000  }
0x1b4: {  	_ =	swait.ge [sflag:s10], $0x4000  }
0x1b5: {  	[sflag:s10] =	ssyncset.done $0x0  }
0x1b6: {  	[sflag:s10] =	ssyncadd.s32 $0xFFFFC000  }
0x1b7: {  	_ =	swait.ge [sflag:s7], $0x4000  }
0x1b8: {  	[sflag:s7] =	ssyncset.done $0x0  }
0x1b9: {  	[sflag:s7] =	ssyncadd.s32 $0xFFFFC000  }
0x1ba: {  	_ =	sfence.sel $0x180000  }
0x1bb: {  	[bflag:$0x0] =	sbarrier.arrive $0xFFFF  }
0x1bc: {  	_ =	strace $0x90000047  }
0x1bd: {  	s31 =	stileid.u32;
	[bflag:$0x2] =	sbarrier.arrive $0xFFFF  }
0x1be: {  	p0 =	sne.s32 s31, $0x0;
	s0 =	rddreg [dreg:$0x2]  }
0x1bf: {  	s0 =	sadd.s32 @!p0 $0x100000, s0  }
0x1c0: {  	[sflag:s0] =	ssyncadd.tile.s32 @!p0 $0x1;
	_ =	shalt  }
.Lfunc_end2:
_tile_overlayer_lowered:
.L_overlay_start_2:
0x1c1: {  	(tag) =	ssettag $0x2  }
0x1c2: {  	s0 =	rddreg [dreg:$0x0];
	s2 =	stileid.u32  }
0x1c3: {  	s1 =	rddreg [dreg:$0x1];
	p0 =	sne.s32 s2, $0x0  }
0x1c4: {  	s3 =	rddreg [dreg:$0x2];
	[bflag:$0x3] =	sbarrier.arrive $0xFFFF;
	s2 =	simm.s32 @!p0 $0x1C0B  }
0x1c5: {  	[timem:s3], [sflag:s2] =	dma.local @!p0 [hbm:s0], s1  }
0x1c6: {  	s0 =	simm.s32 @!p0 $0xB  }
0x1c7: {  	_ =	swait.ge @!p0 [sflag:s0], s1  }
0x1c8: {  	s1 =	ssub.s32 @!p0 $0x0, s1;
	[sflag:s0] =	ssyncset.done @!p0 $0x0  }
0x1c9: {  	[sflag:s0] =	ssyncadd.s32 @!p0 s1  }
0x1ca: {  	[bflag:$0x3] =	sbarrier.arrive $0xFFFF  }
0x1cb: {  	_ =	shalt  }

</sc_bundles>
